<compile_context>
chip_gen: v7x
topology: tpu7x:2x2x1
jax: 0.10.2.dev20260603
libtpu: 0.0.44.dev20260713+nightly
codegen_flags: <defaults>
</compile_context>

<pallas_src>
import functools

import jax
import jax.numpy as jnp
from jax import lax
from jax.experimental import pallas as pl
from jax.experimental.pallas import tpu as pltpu
from jax.experimental.pallas import tpu_sc as plsc

_TOKENS = 32768
_D = 4096
_E = 64
_K = 8
_BT = 1024

_NC = 2
_NS = 16
_NW = _NC * _NS
_TPW = _TOKENS // _NW
_TB = 256


def _matmul_block(x_ref, w_ref, b_ref, out_ref):
    out_ref[...] = jax.lax.dot_general(
        x_ref[...], w_ref[...], (((1,), (1,)), ((), ())),
        preferred_element_type=jnp.float32,
    ) + b_ref[...]


def _tc_logits_chunk(x, W, b, nt):
    b2 = b.reshape(1, _E)
    return pl.pallas_call(
        _matmul_block,
        grid=(nt // _BT,),
        in_specs=[
            pl.BlockSpec((_BT, _D), lambda i: (i, 0)),
            pl.BlockSpec((_E, _D), lambda i: (0, 0)),
            pl.BlockSpec((1, _E), lambda i: (0, 0)),
        ],
        out_specs=pl.BlockSpec((_BT, _E), lambda i: (i, 0)),
        out_shape=jax.ShapeDtypeStruct((nt, _E), jnp.float32),
        compiler_params=pltpu.CompilerParams(
            dimension_semantics=("arbitrary",),
        ),
    )(x, W, b2)


def _merge_desc(lane, ka, va, kb, vb):
    kb2 = lax.rev(kb, dimensions=(0,))
    vb2 = lax.rev(vb, dimensions=(0,))
    low = lane < 8
    kc = jnp.where(low, ka, kb2)
    vc = jnp.where(low, va, vb2)
    return plsc.sort_key_val(kc, vc, descending=True)


def _sc_body(logits_hbm, idx_hbm, probs_hbm, rows_v, idxb_v, probsb_v, *, tpw):
    wid = lax.axis_index("s") * _NC + lax.axis_index("c")
    base = wid * tpw
    lane = lax.iota(jnp.int32, 16)
    low = lane < 8

    def block(bi, carry):
        b0 = base + bi * _TB
        pltpu.sync_copy(logits_hbm.at[pl.ds(b0, _TB)], rows_v)

        def tok(t, carry2):
            ks, vs = [], []
            for c in range(4):
                k = rows_v[t, pl.ds(c * 16, 16)]
                v = lane + (c * 16)
                k, v = plsc.sort_key_val(k, v, descending=True)
                ks.append(k)
                vs.append(v)
            k01, v01 = _merge_desc(lane, ks[0], vs[0], ks[1], vs[1])
            k23, v23 = _merge_desc(lane, ks[2], vs[2], ks[3], vs[3])
            kf, vf = _merge_desc(lane, k01, v01, k23, v23)
            m0 = jnp.max(kf)
            e = jnp.where(low, jnp.exp(kf - m0), jnp.float32(0.0))
            p = e / jnp.sum(e)
            tsplat = jnp.full((16,), t, jnp.int32)
            for c in range(4):
                probsb_v[t, pl.ds(c * 16, 16)] = jnp.zeros((16,), jnp.float32)
            plsc.store_scatter(probsb_v, [tsplat, vf], p, mask=low)
            plsc.store_scatter(idxb_v, [tsplat, lane], vf, mask=low)
            return carry2

        lax.fori_loop(0, _TB, tok, 0)
        pltpu.sync_copy(idxb_v, idx_hbm.at[pl.ds(b0, _TB)])
        pltpu.sync_copy(probsb_v, probs_hbm.at[pl.ds(b0, _TB)])
        return carry

    lax.fori_loop(0, tpw // _TB, block, 0)


def _sc_topk_chunk(logits, nt):
    tpw = nt // _NW
    mesh = plsc.VectorSubcoreMesh(
        core_axis_name="c", subcore_axis_name="s",
        num_cores=_NC, num_subcores=_NS,
    )
    return pl.kernel(
        functools.partial(_sc_body, tpw=tpw),
        out_type=[
            jax.ShapeDtypeStruct((nt, _K), jnp.int32),
            jax.ShapeDtypeStruct((nt, _E), jnp.float32),
        ],
        mesh=mesh,
        scratch_types=[
            pltpu.VMEM((_TB, _E), jnp.float32),
            pltpu.VMEM((_TB, _K), jnp.int32),
            pltpu.VMEM((_TB, _E), jnp.float32),
        ],
        compiler_params=pltpu.CompilerParams(needs_layout_passes=False),
    )(logits)


def kernel(x, W, b):
    chunks = 4
    ct = _TOKENS // chunks
    idxs, probss = [], []
    for c in range(chunks):
        logits = _tc_logits_chunk(x[c * ct:(c + 1) * ct], W, b, ct)
        i_c, p_c = _sc_topk_chunk(logits, ct)
        idxs.append(i_c)
        probss.append(p_c)
    return jnp.concatenate(idxs, 0), jnp.concatenate(probss, 0)

# --- scband reference (transcript-rebuilt; emitter-appended) ---
"""Pipeline reference for scband-token-router-77257871720877 (READ-ONLY COPY).

The authoritative reference and input builder live on the scoring server;
editing this copy changes nothing except your own understanding.
"""

import jax, jax.numpy as jnp
import numpy as np

TOKENS = 32768
D_MODEL = 4096
N_EXPERTS = 64
TOPK = 8


def setup_inputs(seed: int = 0) -> dict:
    key = jax.random.key(seed)
    kx, kw, kb = jax.random.split(key, 3)
    x = jax.random.normal(kx, (TOKENS, D_MODEL), dtype=jnp.float32)
    # nn.Linear(n_embd, n_experts): weight [n_experts, d_model], bias [n_experts]
    bound = 1.0 / np.sqrt(D_MODEL)
    W = jax.random.uniform(kw, (N_EXPERTS, D_MODEL), dtype=jnp.float32, minval=-bound, maxval=bound)
    b = jax.random.uniform(kb, (N_EXPERTS,), dtype=jnp.float32, minval=-bound, maxval=bound)
    return {"x": x, "W": W, "b": b}


def reference(x, W, b):
    # logits = self.gate(x)
    logits = x @ W.T + b
    # top_k_logits, top_k_indices = logits.topk(self.topk, dim=-1)
    top_k_logits, top_k_indices = jax.lax.top_k(logits, TOPK)
    # mask = torch.full_like(logits, -inf); sparse_logits = mask.scatter(-1, idx, vals)
    mask = jnp.full_like(logits, -jnp.inf)
    rows = jnp.arange(logits.shape[0])[:, None]
    sparse_logits = mask.at[rows, top_k_indices].set(top_k_logits)
    # sparse_probs = sparse_logits.softmax(-1)
    sparse_probs = jax.nn.softmax(sparse_logits, axis=-1)
    return (top_k_indices, sparse_probs)

if __name__ == "__main__":
    import jax
    _d = setup_inputs()
    print(jax.jit(kernel)(*tuple(_d.values())))

</pallas_src>

<mosaic_0001>
#map = affine_map<(d0, d1) -> (0, 0)>
module attributes {stable_mosaic.version = 14 : i64} {
  func.func @_sc_body(%arg0: i32, %arg1: i32, %arg2: memref<8192x64xf32, #tpu.memory_space<hbm>>, %arg3: memref<8192x8xi32, #tpu.memory_space<hbm>>, %arg4: memref<8192x64xf32, #tpu.memory_space<hbm>>, %arg5: memref<256x64xf32, #tpu.memory_space<vmem>>, %arg6: memref<256x8xi32, #tpu.memory_space<vmem>>, %arg7: memref<256x64xf32, #tpu.memory_space<vmem>>) attributes {dimension_semantics = [#tpu.dimension_semantics<core_parallel>, #tpu.dimension_semantics<subcore_parallel>], iteration_bounds = array<i64: 2, 16>, scalar_prefetch = 0 : i64, scratch_operands = 3 : i64, tpu.core_type = #tpu.core_type<sc_vector_subcore>, window_params = [{transform_indices = #map}, {transform_indices = #map}, {transform_indices = #map}]} {
    %mul3A = arith.constant 2 : i32
    %mul3A_0 = arith.muli %arg1, %mul3A : i32
    %add3A = arith.addi %mul3A_0, %arg0 : i32
    %mul3A_1 = arith.constant 256 : i32
    %mul3A_2 = arith.muli %add3A, %mul3A_1 : i32
    %iota3A = tpu.iota {dimensions = array<i32: 0>} : vector<16xi32>
    %lt3A = arith.constant 8 : i32
    %lt3A_3 = vector.broadcast %lt3A : i32 to vector<16xi32>
    %lt3A_4 = arith.cmpi slt, %iota3A, %lt3A_3 : vector<16xi32>
    %scan3A = arith.constant 0 : i32
    %scan3A_5 = arith.constant 0 : i32
    %mul3A_6 = arith.constant 256 : i32
    %mul3A_7 = arith.muli %scan3A_5, %mul3A_6 : i32
    %add3A_8 = arith.addi %mul3A_2, %mul3A_7 : i32
    "tpu.region"() ({
      %run_scoped3A = tpu.sem_alloc : memref<!tpu.dma_semaphore, #tpu.memory_space<semaphore_mem>>
      %dma_start3A = arith.constant 0 : i32
      %dma_start3A_16 = tpu.memref_slice %arg2[%add3A_8, %dma_start3A] : memref<8192x64xf32, #tpu.memory_space<hbm>> -> memref<256x64xf32, #tpu.memory_space<hbm>>
      %dma_start3A_17 = arith.constant 0 : i32
      %dma_start3A_18 = tpu.memref_slice %arg2[%add3A_8, %dma_start3A_17] : memref<8192x64xf32, #tpu.memory_space<hbm>> -> memref<256x64xf32, #tpu.memory_space<hbm>>
      tpu.enqueue_dma source(%dma_start3A_18 : memref<256x64xf32, #tpu.memory_space<hbm>>) target(%arg5 : memref<256x64xf32, #tpu.memory_space<vmem>>) target_semaphore(%run_scoped3A : memref<!tpu.dma_semaphore, #tpu.memory_space<semaphore_mem>>)
      %dma_wait3A = arith.constant 0 : i32
      %dma_wait3A_19 = tpu.memref_slice %arg2[%add3A_8, %dma_wait3A] : memref<8192x64xf32, #tpu.memory_space<hbm>> -> memref<256x64xf32, #tpu.memory_space<hbm>>
      %dma_wait3A_20 = arith.constant 0 : i32
      %dma_wait3A_21 = tpu.memref_slice %arg2[%add3A_8, %dma_wait3A_20] : memref<8192x64xf32, #tpu.memory_space<hbm>> -> memref<256x64xf32, #tpu.memory_space<hbm>>
      tpu.wait_dma2 semaphore(%run_scoped3A : memref<!tpu.dma_semaphore, #tpu.memory_space<semaphore_mem>>) src(%dma_wait3A_21 : memref<256x64xf32, #tpu.memory_space<hbm>>) dst(%arg5 : memref<256x64xf32, #tpu.memory_space<vmem>>)
      tpu.yield
    }) : () -> ()
    %scan3A_9 = arith.constant 0 : i32
    %scan3A_10 = arith.constant 0 : i32
    %scan3A_11 = arith.constant 256 : i32
    %scan3A_12 = arith.addi %scan3A_10, %scan3A_11 : i32
    %scan3A_13 = arith.constant 1 : i32
    scf.for %scan3A_16 = %scan3A_10 to %scan3A_12 step %scan3A_13  : i32 {
      %get3A = arith.index_cast %scan3A_16 : i32 to index
      %get3A_17 = arith.constant 0 : index
      %get3A_18 = tpu.vector_load %arg5[%get3A, %get3A_17] {strides = array<i32>} : memref<256x64xf32, #tpu.memory_space<vmem>>, vector<16xf32>,
      %add3A_19 = arith.constant 0 : i32
      %add3A_20 = vector.broadcast %add3A_19 : i32 to vector<16xi32>
      %add3A_21 = arith.addi %iota3A, %add3A_20 : vector<16xi32>
      %masked_sort3A = arith.constant dense<true> : vector<16xi1>
      %masked_sort3A_22, %masked_sort3A_23, %masked_sort3A_24 = tpu.sort %get3A_18, %add3A_21 masked %masked_sort3A {descending = true} : (vector<16xf32>, vector<16xi32>, vector<16xi1>) -> (vector<16xi1>, vector<16xf32>, vector<16xi32>)
      %get3A_25 = arith.index_cast %scan3A_16 : i32 to index
      %get3A_26 = arith.constant 16 : index
      %get3A_27 = tpu.vector_load %arg5[%get3A_25, %get3A_26] {strides = array<i32>} : memref<256x64xf32, #tpu.memory_space<vmem>>, vector<16xf32>,
      %add3A_28 = arith.constant 16 : i32
      %add3A_29 = vector.broadcast %add3A_28 : i32 to vector<16xi32>
      %add3A_30 = arith.addi %iota3A, %add3A_29 : vector<16xi32>
      %masked_sort3A_31 = arith.constant dense<true> : vector<16xi1>
      %masked_sort3A_32, %masked_sort3A_33, %masked_sort3A_34 = tpu.sort %get3A_27, %add3A_30 masked %masked_sort3A_31 {descending = true} : (vector<16xf32>, vector<16xi32>, vector<16xi1>) -> (vector<16xi1>, vector<16xf32>, vector<16xi32>)
      %get3A_35 = arith.index_cast %scan3A_16 : i32 to index
      %get3A_36 = arith.constant 32 : index
      %get3A_37 = tpu.vector_load %arg5[%get3A_35, %get3A_36] {strides = array<i32>} : memref<256x64xf32, #tpu.memory_space<vmem>>, vector<16xf32>,
      %add3A_38 = arith.constant 32 : i32
      %add3A_39 = vector.broadcast %add3A_38 : i32 to vector<16xi32>
      %add3A_40 = arith.addi %iota3A, %add3A_39 : vector<16xi32>
      %masked_sort3A_41 = arith.constant dense<true> : vector<16xi1>
      %masked_sort3A_42, %masked_sort3A_43, %masked_sort3A_44 = tpu.sort %get3A_37, %add3A_40 masked %masked_sort3A_41 {descending = true} : (vector<16xf32>, vector<16xi32>, vector<16xi1>) -> (vector<16xi1>, vector<16xf32>, vector<16xi32>)
      %get3A_45 = arith.index_cast %scan3A_16 : i32 to index
      %get3A_46 = arith.constant 48 : index
      %get3A_47 = tpu.vector_load %arg5[%get3A_45, %get3A_46] {strides = array<i32>} : memref<256x64xf32, #tpu.memory_space<vmem>>, vector<16xf32>,
      %add3A_48 = arith.constant 48 : i32
      %add3A_49 = vector.broadcast %add3A_48 : i32 to vector<16xi32>
      %add3A_50 = arith.addi %iota3A, %add3A_49 : vector<16xi32>
      %masked_sort3A_51 = arith.constant dense<true> : vector<16xi1>
      %masked_sort3A_52, %masked_sort3A_53, %masked_sort3A_54 = tpu.sort %get3A_47, %add3A_50 masked %masked_sort3A_51 {descending = true} : (vector<16xf32>, vector<16xi32>, vector<16xi1>) -> (vector<16xi1>, vector<16xf32>, vector<16xi32>)
      %rev3A = arith.constant 15 : i32
      %rev3A_55 = vector.broadcast %rev3A : i32 to vector<16xi32>
      %rev3A_56 = tpu.iota {dimensions = array<i32: 0>} : vector<16xi32>
      %rev3A_57 = arith.subi %rev3A_55, %rev3A_56 : vector<16xi32>
      %rev3A_58 = tpu.dynamic_gather %masked_sort3A_33[%rev3A_57] in [0] : vector<16xf32>, vector<16xi32> -> vector<16xf32>
      %rev3A_59 = arith.constant 15 : i32
      %rev3A_60 = vector.broadcast %rev3A_59 : i32 to vector<16xi32>
      %rev3A_61 = tpu.iota {dimensions = array<i32: 0>} : vector<16xi32>
      %rev3A_62 = arith.subi %rev3A_60, %rev3A_61 : vector<16xi32>
      %rev3A_63 = tpu.dynamic_gather %masked_sort3A_34[%rev3A_62] in [0] : vector<16xi32>, vector<16xi32> -> vector<16xi32>
      %lt3A_64 = arith.constant 8 : i32
      %lt3A_65 = vector.broadcast %lt3A_64 : i32 to vector<16xi32>
      %lt3A_66 = arith.cmpi slt, %iota3A, %lt3A_65 : vector<16xi32>
      %select_n3A = arith.select %lt3A_66, %masked_sort3A_23, %rev3A_58 : vector<16xi1>, vector<16xf32>
      %select_n3A_67 = arith.select %lt3A_66, %masked_sort3A_24, %rev3A_63 : vector<16xi1>, vector<16xi32>
      %masked_sort3A_68 = arith.constant dense<true> : vector<16xi1>
      %masked_sort3A_69, %masked_sort3A_70, %masked_sort3A_71 = tpu.sort %select_n3A, %select_n3A_67 masked %masked_sort3A_68 {descending = true} : (vector<16xf32>, vector<16xi32>, vector<16xi1>) -> (vector<16xi1>, vector<16xf32>, vector<16xi32>)
      %rev3A_72 = arith.constant 15 : i32
      %rev3A_73 = vector.broadcast %rev3A_72 : i32 to vector<16xi32>
      %rev3A_74 = tpu.iota {dimensions = array<i32: 0>} : vector<16xi32>
      %rev3A_75 = arith.subi %rev3A_73, %rev3A_74 : vector<16xi32>
      %rev3A_76 = tpu.dynamic_gather %masked_sort3A_53[%rev3A_75] in [0] : vector<16xf32>, vector<16xi32> -> vector<16xf32>
      %rev3A_77 = arith.constant 15 : i32
      %rev3A_78 = vector.broadcast %rev3A_77 : i32 to vector<16xi32>
      %rev3A_79 = tpu.iota {dimensions = array<i32: 0>} : vector<16xi32>
      %rev3A_80 = arith.subi %rev3A_78, %rev3A_79 : vector<16xi32>
      %rev3A_81 = tpu.dynamic_gather %masked_sort3A_54[%rev3A_80] in [0] : vector<16xi32>, vector<16xi32> -> vector<16xi32>
      %lt3A_82 = arith.constant 8 : i32
      %lt3A_83 = vector.broadcast %lt3A_82 : i32 to vector<16xi32>
      %lt3A_84 = arith.cmpi slt, %iota3A, %lt3A_83 : vector<16xi32>
      %select_n3A_85 = arith.select %lt3A_84, %masked_sort3A_43, %rev3A_76 : vector<16xi1>, vector<16xf32>
      %select_n3A_86 = arith.select %lt3A_84, %masked_sort3A_44, %rev3A_81 : vector<16xi1>, vector<16xi32>
      %masked_sort3A_87 = arith.constant dense<true> : vector<16xi1>
      %masked_sort3A_88, %masked_sort3A_89, %masked_sort3A_90 = tpu.sort %select_n3A_85, %select_n3A_86 masked %masked_sort3A_87 {descending = true} : (vector<16xf32>, vector<16xi32>, vector<16xi1>) -> (vector<16xi1>, vector<16xf32>, vector<16xi32>)
      %rev3A_91 = arith.constant 15 : i32
      %rev3A_92 = vector.broadcast %rev3A_91 : i32 to vector<16xi32>
      %rev3A_93 = tpu.iota {dimensions = array<i32: 0>} : vector<16xi32>
      %rev3A_94 = arith.subi %rev3A_92, %rev3A_93 : vector<16xi32>
      %rev3A_95 = tpu.dynamic_gather %masked_sort3A_89[%rev3A_94] in [0] : vector<16xf32>, vector<16xi32> -> vector<16xf32>
      %rev3A_96 = arith.constant 15 : i32
      %rev3A_97 = vector.broadcast %rev3A_96 : i32 to vector<16xi32>
      %rev3A_98 = tpu.iota {dimensions = array<i32: 0>} : vector<16xi32>
      %rev3A_99 = arith.subi %rev3A_97, %rev3A_98 : vector<16xi32>
      %rev3A_100 = tpu.dynamic_gather %masked_sort3A_90[%rev3A_99] in [0] : vector<16xi32>, vector<16xi32> -> vector<16xi32>
      %lt3A_101 = arith.constant 8 : i32
      %lt3A_102 = vector.broadcast %lt3A_101 : i32 to vector<16xi32>
      %lt3A_103 = arith.cmpi slt, %iota3A, %lt3A_102 : vector<16xi32>
      %select_n3A_104 = arith.select %lt3A_103, %masked_sort3A_70, %rev3A_95 : vector<16xi1>, vector<16xf32>
      %select_n3A_105 = arith.select %lt3A_103, %masked_sort3A_71, %rev3A_100 : vector<16xi1>, vector<16xi32>
      %masked_sort3A_106 = arith.constant dense<true> : vector<16xi1>
      %masked_sort3A_107, %masked_sort3A_108, %masked_sort3A_109 = tpu.sort %select_n3A_104, %select_n3A_105 masked %masked_sort3A_106 {descending = true} : (vector<16xf32>, vector<16xi32>, vector<16xi1>) -> (vector<16xi1>, vector<16xf32>, vector<16xi32>)
      %reduce_max3A = arith.constant true
      %reduce_max3A_110 = vector.broadcast %reduce_max3A : i1 to vector<16xi1>
      %reduce_max3A_111 = tpu.scan <max>, %masked_sort3A_108 masked %reduce_max3A_110 : vector<16xf32>, vector<16xi1> -> vector<16xf32>
      %reduce_max3A_112 = vector.extract %reduce_max3A_111[15] : f32 from vector<16xf32>
      %sub3A = vector.broadcast %reduce_max3A_112 : f32 to vector<16xf32>
      %sub3A_113 = arith.subf %masked_sort3A_108, %sub3A : vector<16xf32>
      %exp3A = math.exp %sub3A_113 : vector<16xf32>
      %jit3A = arith.constant 0.000000e+00 : f32
      %broadcast_in_dim3A = vector.broadcast %jit3A : f32 to vector<16xf32>
      %select_n3A_114 = arith.select %lt3A_4, %exp3A, %broadcast_in_dim3A : vector<16xi1>, vector<16xf32>
      %reduce_sum3A = arith.constant true
      %reduce_sum3A_115 = vector.broadcast %reduce_sum3A : i1 to vector<16xi1>
      %reduce_sum3A_116 = tpu.scan <sum>, %select_n3A_114 masked %reduce_sum3A_115 : vector<16xf32>, vector<16xi1> -> vector<16xf32>
      %reduce_sum3A_117 = vector.extract %reduce_sum3A_116[15] : f32 from vector<16xf32>
      %div3A = vector.broadcast %reduce_sum3A_117 : f32 to vector<16xf32>
      %div3A_118 = arith.divf %select_n3A_114, %div3A : vector<16xf32>
      %broadcast_in_dim3A_119 = vector.broadcast %scan3A_16 : i32 to vector<16xi32>
      %broadcast_in_dim3A_120 = arith.constant 0.000000e+00 : f32
      %broadcast_in_dim3A_121 = vector.broadcast %broadcast_in_dim3A_120 : f32 to vector<16xf32>
      %swap3A = arith.index_cast %scan3A_16 : i32 to index
      %swap3A_122 = arith.constant 0 : index
      %swap3A_123 = tpu.vector_load %arg7[%swap3A, %swap3A_122] {strides = array<i32>} : memref<256x64xf32, #tpu.memory_space<vmem>>, vector<16xf32>,
      tpu.vector_store %arg7[%swap3A, %swap3A_122], %broadcast_in_dim3A_121 {strides = array<i32>} : memref<256x64xf32, #tpu.memory_space<vmem>>, vector<16xf32>,
      %broadcast_in_dim3A_124 = arith.constant 0.000000e+00 : f32
      %broadcast_in_dim3A_125 = vector.broadcast %broadcast_in_dim3A_124 : f32 to vector<16xf32>
      %swap3A_126 = arith.index_cast %scan3A_16 : i32 to index
      %swap3A_127 = arith.constant 16 : index
      %swap3A_128 = tpu.vector_load %arg7[%swap3A_126, %swap3A_127] {strides = array<i32>} : memref<256x64xf32, #tpu.memory_space<vmem>>, vector<16xf32>,
      tpu.vector_store %arg7[%swap3A_126, %swap3A_127], %broadcast_in_dim3A_125 {strides = array<i32>} : memref<256x64xf32, #tpu.memory_space<vmem>>, vector<16xf32>,
      %broadcast_in_dim3A_129 = arith.constant 0.000000e+00 : f32
      %broadcast_in_dim3A_130 = vector.broadcast %broadcast_in_dim3A_129 : f32 to vector<16xf32>
      %swap3A_131 = arith.index_cast %scan3A_16 : i32 to index
      %swap3A_132 = arith.constant 32 : index
      %swap3A_133 = tpu.vector_load %arg7[%swap3A_131, %swap3A_132] {strides = array<i32>} : memref<256x64xf32, #tpu.memory_space<vmem>>, vector<16xf32>,
      tpu.vector_store %arg7[%swap3A_131, %swap3A_132], %broadcast_in_dim3A_130 {strides = array<i32>} : memref<256x64xf32, #tpu.memory_space<vmem>>, vector<16xf32>,
      %broadcast_in_dim3A_134 = arith.constant 0.000000e+00 : f32
      %broadcast_in_dim3A_135 = vector.broadcast %broadcast_in_dim3A_134 : f32 to vector<16xf32>
      %swap3A_136 = arith.index_cast %scan3A_16 : i32 to index
      %swap3A_137 = arith.constant 48 : index
      %swap3A_138 = tpu.vector_load %arg7[%swap3A_136, %swap3A_137] {strides = array<i32>} : memref<256x64xf32, #tpu.memory_space<vmem>>, vector<16xf32>,
      tpu.vector_store %arg7[%swap3A_136, %swap3A_137], %broadcast_in_dim3A_135 {strides = array<i32>} : memref<256x64xf32, #tpu.memory_space<vmem>>, vector<16xf32>,
      tpu.vector_store_idx %arg7[%broadcast_in_dim3A_119, %masked_sort3A_109], %div3A_118 masked %lt3A_4 : memref<256x64xf32, #tpu.memory_space<vmem>>[vector<16xi32>, vector<16xi32>], vector<16xf32>, vector<16xi1>
      tpu.vector_store_idx %arg6[%broadcast_in_dim3A_119, %iota3A], %masked_sort3A_109 masked %lt3A_4 : memref<256x8xi32, #tpu.memory_space<vmem>>[vector<16xi32>, vector<16xi32>], vector<16xi32>, vector<16xi1>
    }
    %scan3A_14 = arith.constant 256 : i32
    "tpu.region"() ({
      %run_scoped3A = tpu.sem_alloc : memref<!tpu.dma_semaphore, #tpu.memory_space<semaphore_mem>>
      %dma_start3A = arith.constant 0 : i32
      %dma_start3A_16 = tpu.memref_slice %arg3[%add3A_8, %dma_start3A] : memref<8192x8xi32, #tpu.memory_space<hbm>> -> memref<256x8xi32, #tpu.memory_space<hbm>>
      %dma_start3A_17 = arith.constant 0 : i32
      %dma_start3A_18 = tpu.memref_slice %arg3[%add3A_8, %dma_start3A_17] : memref<8192x8xi32, #tpu.memory_space<hbm>> -> memref<256x8xi32, #tpu.memory_space<hbm>>
      tpu.enqueue_dma source(%arg6 : memref<256x8xi32, #tpu.memory_space<vmem>>) target(%dma_start3A_18 : memref<256x8xi32, #tpu.memory_space<hbm>>) target_semaphore(%run_scoped3A : memref<!tpu.dma_semaphore, #tpu.memory_space<semaphore_mem>>)
      %dma_wait3A = arith.constant 0 : i32
      %dma_wait3A_19 = tpu.memref_slice %arg3[%add3A_8, %dma_wait3A] : memref<8192x8xi32, #tpu.memory_space<hbm>> -> memref<256x8xi32, #tpu.memory_space<hbm>>
      %dma_wait3A_20 = arith.constant 0 : i32
      %dma_wait3A_21 = tpu.memref_slice %arg3[%add3A_8, %dma_wait3A_20] : memref<8192x8xi32, #tpu.memory_space<hbm>> -> memref<256x8xi32, #tpu.memory_space<hbm>>
      tpu.wait_dma2 semaphore(%run_scoped3A : memref<!tpu.dma_semaphore, #tpu.memory_space<semaphore_mem>>) src(%arg6 : memref<256x8xi32, #tpu.memory_space<vmem>>) dst(%dma_wait3A_21 : memref<256x8xi32, #tpu.memory_space<hbm>>)
      tpu.yield
    }) : () -> ()
    "tpu.region"() ({
      %run_scoped3A = tpu.sem_alloc : memref<!tpu.dma_semaphore, #tpu.memory_space<semaphore_mem>>
      %dma_start3A = arith.constant 0 : i32
      %dma_start3A_16 = tpu.memref_slice %arg4[%add3A_8, %dma_start3A] : memref<8192x64xf32, #tpu.memory_space<hbm>> -> memref<256x64xf32, #tpu.memory_space<hbm>>
      %dma_start3A_17 = arith.constant 0 : i32
      %dma_start3A_18 = tpu.memref_slice %arg4[%add3A_8, %dma_start3A_17] : memref<8192x64xf32, #tpu.memory_space<hbm>> -> memref<256x64xf32, #tpu.memory_space<hbm>>
      tpu.enqueue_dma source(%arg7 : memref<256x64xf32, #tpu.memory_space<vmem>>) target(%dma_start3A_18 : memref<256x64xf32, #tpu.memory_space<hbm>>) target_semaphore(%run_scoped3A : memref<!tpu.dma_semaphore, #tpu.memory_space<semaphore_mem>>)
      %dma_wait3A = arith.constant 0 : i32
      %dma_wait3A_19 = tpu.memref_slice %arg4[%add3A_8, %dma_wait3A] : memref<8192x64xf32, #tpu.memory_space<hbm>> -> memref<256x64xf32, #tpu.memory_space<hbm>>
      %dma_wait3A_20 = arith.constant 0 : i32
      %dma_wait3A_21 = tpu.memref_slice %arg4[%add3A_8, %dma_wait3A_20] : memref<8192x64xf32, #tpu.memory_space<hbm>> -> memref<256x64xf32, #tpu.memory_space<hbm>>
      tpu.wait_dma2 semaphore(%run_scoped3A : memref<!tpu.dma_semaphore, #tpu.memory_space<semaphore_mem>>) src(%arg7 : memref<256x64xf32, #tpu.memory_space<vmem>>) dst(%dma_wait3A_21 : memref<256x64xf32, #tpu.memory_space<hbm>>)
      tpu.yield
    }) : () -> ()
    %scan3A_15 = arith.constant 1 : i32
    return
  }
}

#map = affine_map<(d0, d1) -> (0, 0)>
module attributes {stable_mosaic.version = 14 : i64} {
  func.func @_sc_body(%arg0: i32, %arg1: i32, %arg2: memref<8192x64xf32, #tpu.memory_space<hbm>>, %arg3: memref<8192x8xi32, #tpu.memory_space<hbm>>, %arg4: memref<8192x64xf32, #tpu.memory_space<hbm>>, %arg5: memref<256x64xf32, #tpu.memory_space<vmem>>, %arg6: memref<256x8xi32, #tpu.memory_space<vmem>>, %arg7: memref<256x64xf32, #tpu.memory_space<vmem>>) attributes {dimension_semantics = [#tpu.dimension_semantics<core_parallel>, #tpu.dimension_semantics<subcore_parallel>], iteration_bounds = array<i64: 2, 16>, scalar_prefetch = 0 : i64, scratch_operands = 3 : i64, tpu.core_type = #tpu.core_type<sc_vector_subcore>, window_params = [{transform_indices = #map}, {transform_indices = #map}, {transform_indices = #map}]} {
    %mul3A = arith.constant 2 : i32
    %mul3A_0 = arith.muli %arg1, %mul3A : i32
    %add3A = arith.addi %mul3A_0, %arg0 : i32
    %mul3A_1 = arith.constant 256 : i32
    %mul3A_2 = arith.muli %add3A, %mul3A_1 : i32
    %iota3A = tpu.iota {dimensions = array<i32: 0>} : vector<16xi32>
    %lt3A = arith.constant 8 : i32
    %lt3A_3 = vector.broadcast %lt3A : i32 to vector<16xi32>
    %lt3A_4 = arith.cmpi slt, %iota3A, %lt3A_3 : vector<16xi32>
    %scan3A = arith.constant 0 : i32
    %scan3A_5 = arith.constant 0 : i32
    %mul3A_6 = arith.constant 256 : i32
    %mul3A_7 = arith.muli %scan3A_5, %mul3A_6 : i32
    %add3A_8 = arith.addi %mul3A_2, %mul3A_7 : i32
    "tpu.region"() ({
      %run_scoped3A = tpu.sem_alloc : memref<!tpu.dma_semaphore, #tpu.memory_space<semaphore_mem>>
      %dma_start3A = arith.constant 0 : i32
      %dma_start3A_16 = tpu.memref_slice %arg2[%add3A_8, %dma_start3A] : memref<8192x64xf32, #tpu.memory_space<hbm>> -> memref<256x64xf32, #tpu.memory_space<hbm>>
      %dma_start3A_17 = arith.constant 0 : i32
      %dma_start3A_18 = tpu.memref_slice %arg2[%add3A_8, %dma_start3A_17] : memref<8192x64xf32, #tpu.memory_space<hbm>> -> memref<256x64xf32, #tpu.memory_space<hbm>>
      tpu.enqueue_dma source(%dma_start3A_18 : memref<256x64xf32, #tpu.memory_space<hbm>>) target(%arg5 : memref<256x64xf32, #tpu.memory_space<vmem>>) target_semaphore(%run_scoped3A : memref<!tpu.dma_semaphore, #tpu.memory_space<semaphore_mem>>)
      %dma_wait3A = arith.constant 0 : i32
      %dma_wait3A_19 = tpu.memref_slice %arg2[%add3A_8, %dma_wait3A] : memref<8192x64xf32, #tpu.memory_space<hbm>> -> memref<256x64xf32, #tpu.memory_space<hbm>>
      %dma_wait3A_20 = arith.constant 0 : i32
      %dma_wait3A_21 = tpu.memref_slice %arg2[%add3A_8, %dma_wait3A_20] : memref<8192x64xf32, #tpu.memory_space<hbm>> -> memref<256x64xf32, #tpu.memory_space<hbm>>
      tpu.wait_dma2 semaphore(%run_scoped3A : memref<!tpu.dma_semaphore, #tpu.memory_space<semaphore_mem>>) src(%dma_wait3A_21 : memref<256x64xf32, #tpu.memory_space<hbm>>) dst(%arg5 : memref<256x64xf32, #tpu.memory_space<vmem>>)
      tpu.yield
    }) : () -> ()
    %scan3A_9 = arith.constant 0 : i32
    %scan3A_10 = arith.constant 0 : i32
    %scan3A_11 = arith.constant 256 : i32
    %scan3A_12 = arith.addi %scan3A_10, %scan3A_11 : i32
    %scan3A_13 = arith.constant 1 : i32
    scf.for %scan3A_16 = %scan3A_10 to %scan3A_12 step %scan3A_13  : i32 {
      %get3A = arith.index_cast %scan3A_16 : i32 to index
      %get3A_17 = arith.constant 0 : index
      %get3A_18 = tpu.vector_load %arg5[%get3A, %get3A_17] {strides = array<i32>} : memref<256x64xf32, #tpu.memory_space<vmem>>, vector<16xf32>,
      %add3A_19 = arith.constant 0 : i32
      %add3A_20 = vector.broadcast %add3A_19 : i32 to vector<16xi32>
      %add3A_21 = arith.addi %iota3A, %add3A_20 : vector<16xi32>
      %masked_sort3A = arith.constant dense<true> : vector<16xi1>
      %masked_sort3A_22, %masked_sort3A_23, %masked_sort3A_24 = tpu.sort %get3A_18, %add3A_21 masked %masked_sort3A {descending = true} : (vector<16xf32>, vector<16xi32>, vector<16xi1>) -> (vector<16xi1>, vector<16xf32>, vector<16xi32>)
      %get3A_25 = arith.index_cast %scan3A_16 : i32 to index
      %get3A_26 = arith.constant 16 : index
      %get3A_27 = tpu.vector_load %arg5[%get3A_25, %get3A_26] {strides = array<i32>} : memref<256x64xf32, #tpu.memory_space<vmem>>, vector<16xf32>,
      %add3A_28 = arith.constant 16 : i32
      %add3A_29 = vector.broadcast %add3A_28 : i32 to vector<16xi32>
      %add3A_30 = arith.addi %iota3A, %add3A_29 : vector<16xi32>
      %masked_sort3A_31 = arith.constant dense<true> : vector<16xi1>
      %masked_sort3A_32, %masked_sort3A_33, %masked_sort3A_34 = tpu.sort %get3A_27, %add3A_30 masked %masked_sort3A_31 {descending = true} : (vector<16xf32>, vector<16xi32>, vector<16xi1>) -> (vector<16xi1>, vector<16xf32>, vector<16xi32>)
      %get3A_35 = arith.index_cast %scan3A_16 : i32 to index
      %get3A_36 = arith.constant 32 : index
      %get3A_37 = tpu.vector_load %arg5[%get3A_35, %get3A_36] {strides = array<i32>} : memref<256x64xf32, #tpu.memory_space<vmem>>, vector<16xf32>,
      %add3A_38 = arith.constant 32 : i32
      %add3A_39 = vector.broadcast %add3A_38 : i32 to vector<16xi32>
      %add3A_40 = arith.addi %iota3A, %add3A_39 : vector<16xi32>
      %masked_sort3A_41 = arith.constant dense<true> : vector<16xi1>
      %masked_sort3A_42, %masked_sort3A_43, %masked_sort3A_44 = tpu.sort %get3A_37, %add3A_40 masked %masked_sort3A_41 {descending = true} : (vector<16xf32>, vector<16xi32>, vector<16xi1>) -> (vector<16xi1>, vector<16xf32>, vector<16xi32>)
      %get3A_45 = arith.index_cast %scan3A_16 : i32 to index
      %get3A_46 = arith.constant 48 : index
      %get3A_47 = tpu.vector_load %arg5[%get3A_45, %get3A_46] {strides = array<i32>} : memref<256x64xf32, #tpu.memory_space<vmem>>, vector<16xf32>,
      %add3A_48 = arith.constant 48 : i32
      %add3A_49 = vector.broadcast %add3A_48 : i32 to vector<16xi32>
      %add3A_50 = arith.addi %iota3A, %add3A_49 : vector<16xi32>
      %masked_sort3A_51 = arith.constant dense<true> : vector<16xi1>
      %masked_sort3A_52, %masked_sort3A_53, %masked_sort3A_54 = tpu.sort %get3A_47, %add3A_50 masked %masked_sort3A_51 {descending = true} : (vector<16xf32>, vector<16xi32>, vector<16xi1>) -> (vector<16xi1>, vector<16xf32>, vector<16xi32>)
      %rev3A = arith.constant 15 : i32
      %rev3A_55 = vector.broadcast %rev3A : i32 to vector<16xi32>
      %rev3A_56 = tpu.iota {dimensions = array<i32: 0>} : vector<16xi32>
      %rev3A_57 = arith.subi %rev3A_55, %rev3A_56 : vector<16xi32>
      %rev3A_58 = tpu.dynamic_gather %masked_sort3A_33[%rev3A_57] in [0] : vector<16xf32>, vector<16xi32> -> vector<16xf32>
      %rev3A_59 = arith.constant 15 : i32
      %rev3A_60 = vector.broadcast %rev3A_59 : i32 to vector<16xi32>
      %rev3A_61 = tpu.iota {dimensions = array<i32: 0>} : vector<16xi32>
      %rev3A_62 = arith.subi %rev3A_60, %rev3A_61 : vector<16xi32>
      %rev3A_63 = tpu.dynamic_gather %masked_sort3A_34[%rev3A_62] in [0] : vector<16xi32>, vector<16xi32> -> vector<16xi32>
      %lt3A_64 = arith.constant 8 : i32
      %lt3A_65 = vector.broadcast %lt3A_64 : i32 to vector<16xi32>
      %lt3A_66 = arith.cmpi slt, %iota3A, %lt3A_65 : vector<16xi32>
      %select_n3A = arith.select %lt3A_66, %masked_sort3A_23, %rev3A_58 : vector<16xi1>, vector<16xf32>
      %select_n3A_67 = arith.select %lt3A_66, %masked_sort3A_24, %rev3A_63 : vector<16xi1>, vector<16xi32>
      %masked_sort3A_68 = arith.constant dense<true> : vector<16xi1>
      %masked_sort3A_69, %masked_sort3A_70, %masked_sort3A_71 = tpu.sort %select_n3A, %select_n3A_67 masked %masked_sort3A_68 {descending = true} : (vector<16xf32>, vector<16xi32>, vector<16xi1>) -> (vector<16xi1>, vector<16xf32>, vector<16xi32>)
      %rev3A_72 = arith.constant 15 : i32
      %rev3A_73 = vector.broadcast %rev3A_72 : i32 to vector<16xi32>
      %rev3A_74 = tpu.iota {dimensions = array<i32: 0>} : vector<16xi32>
      %rev3A_75 = arith.subi %rev3A_73, %rev3A_74 : vector<16xi32>
      %rev3A_76 = tpu.dynamic_gather %masked_sort3A_53[%rev3A_75] in [0] : vector<16xf32>, vector<16xi32> -> vector<16xf32>
      %rev3A_77 = arith.constant 15 : i32
      %rev3A_78 = vector.broadcast %rev3A_77 : i32 to vector<16xi32>
      %rev3A_79 = tpu.iota {dimensions = array<i32: 0>} : vector<16xi32>
      %rev3A_80 = arith.subi %rev3A_78, %rev3A_79 : vector<16xi32>
      %rev3A_81 = tpu.dynamic_gather %masked_sort3A_54[%rev3A_80] in [0] : vector<16xi32>, vector<16xi32> -> vector<16xi32>
      %lt3A_82 = arith.constant 8 : i32
      %lt3A_83 = vector.broadcast %lt3A_82 : i32 to vector<16xi32>
      %lt3A_84 = arith.cmpi slt, %iota3A, %lt3A_83 : vector<16xi32>
      %select_n3A_85 = arith.select %lt3A_84, %masked_sort3A_43, %rev3A_76 : vector<16xi1>, vector<16xf32>
      %select_n3A_86 = arith.select %lt3A_84, %masked_sort3A_44, %rev3A_81 : vector<16xi1>, vector<16xi32>
      %masked_sort3A_87 = arith.constant dense<true> : vector<16xi1>
      %masked_sort3A_88, %masked_sort3A_89, %masked_sort3A_90 = tpu.sort %select_n3A_85, %select_n3A_86 masked %masked_sort3A_87 {descending = true} : (vector<16xf32>, vector<16xi32>, vector<16xi1>) -> (vector<16xi1>, vector<16xf32>, vector<16xi32>)
      %rev3A_91 = arith.constant 15 : i32
      %rev3A_92 = vector.broadcast %rev3A_91 : i32 to vector<16xi32>
      %rev3A_93 = tpu.iota {dimensions = array<i32: 0>} : vector<16xi32>
      %rev3A_94 = arith.subi %rev3A_92, %rev3A_93 : vector<16xi32>
      %rev3A_95 = tpu.dynamic_gather %masked_sort3A_89[%rev3A_94] in [0] : vector<16xf32>, vector<16xi32> -> vector<16xf32>
      %rev3A_96 = arith.constant 15 : i32
      %rev3A_97 = vector.broadcast %rev3A_96 : i32 to vector<16xi32>
      %rev3A_98 = tpu.iota {dimensions = array<i32: 0>} : vector<16xi32>
      %rev3A_99 = arith.subi %rev3A_97, %rev3A_98 : vector<16xi32>
      %rev3A_100 = tpu.dynamic_gather %masked_sort3A_90[%rev3A_99] in [0] : vector<16xi32>, vector<16xi32> -> vector<16xi32>
      %lt3A_101 = arith.constant 8 : i32
      %lt3A_102 = vector.broadcast %lt3A_101 : i32 to vector<16xi32>
      %lt3A_103 = arith.cmpi slt, %iota3A, %lt3A_102 : vector<16xi32>
      %select_n3A_104 = arith.select %lt3A_103, %masked_sort3A_70, %rev3A_95 : vector<16xi1>, vector<16xf32>
      %select_n3A_105 = arith.select %lt3A_103, %masked_sort3A_71, %rev3A_100 : vector<16xi1>, vector<16xi32>
      %masked_sort3A_106 = arith.constant dense<true> : vector<16xi1>
      %masked_sort3A_107, %masked_sort3A_108, %masked_sort3A_109 = tpu.sort %select_n3A_104, %select_n3A_105 masked %masked_sort3A_106 {descending = true} : (vector<16xf32>, vector<16xi32>, vector<16xi1>) -> (vector<16xi1>, vector<16xf32>, vector<16xi32>)
      %reduce_max3A = arith.constant true
      %reduce_max3A_110 = vector.broadcast %reduce_max3A : i1 to vector<16xi1>
      %reduce_max3A_111 = tpu.scan <max>, %masked_sort3A_108 masked %reduce_max3A_110 : vector<16xf32>, vector<16xi1> -> vector<16xf32>
      %reduce_max3A_112 = vector.extract %reduce_max3A_111[15] : f32 from vector<16xf32>
      %sub3A = vector.broadcast %reduce_max3A_112 : f32 to vector<16xf32>
      %sub3A_113 = arith.subf %masked_sort3A_108, %sub3A : vector<16xf32>
      %exp3A = math.exp %sub3A_113 : vector<16xf32>
      %jit3A = arith.constant 0.000000e+00 : f32
      %broadcast_in_dim3A = vector.broadcast %jit3A : f32 to vector<16xf32>
      %select_n3A_114 = arith.select %lt3A_4, %exp3A, %broadcast_in_dim3A : vector<16xi1>, vector<16xf32>
      %reduce_sum3A = arith.constant true
      %reduce_sum3A_115 = vector.broadcast %reduce_sum3A : i1 to vector<16xi1>
      %reduce_sum3A_116 = tpu.scan <sum>, %select_n3A_114 masked %reduce_sum3A_115 : vector<16xf32>, vector<16xi1> -> vector<16xf32>
      %reduce_sum3A_117 = vector.extract %reduce_sum3A_116[15] : f32 from vector<16xf32>
      %div3A = vector.broadcast %reduce_sum3A_117 : f32 to vector<16xf32>
      %div3A_118 = arith.divf %select_n3A_114, %div3A : vector<16xf32>
      %broadcast_in_dim3A_119 = vector.broadcast %scan3A_16 : i32 to vector<16xi32>
      %broadcast_in_dim3A_120 = arith.constant 0.000000e+00 : f32
      %broadcast_in_dim3A_121 = vector.broadcast %broadcast_in_dim3A_120 : f32 to vector<16xf32>
      %swap3A = arith.index_cast %scan3A_16 : i32 to index
      %swap3A_122 = arith.constant 0 : index
      %swap3A_123 = tpu.vector_load %arg7[%swap3A, %swap3A_122] {strides = array<i32>} : memref<256x64xf32, #tpu.memory_space<vmem>>, vector<16xf32>,
      tpu.vector_store %arg7[%swap3A, %swap3A_122], %broadcast_in_dim3A_121 {strides = array<i32>} : memref<256x64xf32, #tpu.memory_space<vmem>>, vector<16xf32>,
      %broadcast_in_dim3A_124 = arith.constant 0.000000e+00 : f32
      %broadcast_in_dim3A_125 = vector.broadcast %broadcast_in_dim3A_124 : f32 to vector<16xf32>
      %swap3A_126 = arith.index_cast %scan3A_16 : i32 to index
      %swap3A_127 = arith.constant 16 : index
      %swap3A_128 = tpu.vector_load %arg7[%swap3A_126, %swap3A_127] {strides = array<i32>} : memref<256x64xf32, #tpu.memory_space<vmem>>, vector<16xf32>,
      tpu.vector_store %arg7[%swap3A_126, %swap3A_127], %broadcast_in_dim3A_125 {strides = array<i32>} : memref<256x64xf32, #tpu.memory_space<vmem>>, vector<16xf32>,
      %broadcast_in_dim3A_129 = arith.constant 0.000000e+00 : f32
      %broadcast_in_dim3A_130 = vector.broadcast %broadcast_in_dim3A_129 : f32 to vector<16xf32>
      %swap3A_131 = arith.index_cast %scan3A_16 : i32 to index
      %swap3A_132 = arith.constant 32 : index
      %swap3A_133 = tpu.vector_load %arg7[%swap3A_131, %swap3A_132] {strides = array<i32>} : memref<256x64xf32, #tpu.memory_space<vmem>>, vector<16xf32>,
      tpu.vector_store %arg7[%swap3A_131, %swap3A_132], %broadcast_in_dim3A_130 {strides = array<i32>} : memref<256x64xf32, #tpu.memory_space<vmem>>, vector<16xf32>,
      %broadcast_in_dim3A_134 = arith.constant 0.000000e+00 : f32
      %broadcast_in_dim3A_135 = vector.broadcast %broadcast_in_dim3A_134 : f32 to vector<16xf32>
      %swap3A_136 = arith.index_cast %scan3A_16 : i32 to index
      %swap3A_137 = arith.constant 48 : index
      %swap3A_138 = tpu.vector_load %arg7[%swap3A_136, %swap3A_137] {strides = array<i32>} : memref<256x64xf32, #tpu.memory_space<vmem>>, vector<16xf32>,
      tpu.vector_store %arg7[%swap3A_136, %swap3A_137], %broadcast_in_dim3A_135 {strides = array<i32>} : memref<256x64xf32, #tpu.memory_space<vmem>>, vector<16xf32>,
      tpu.vector_store_idx %arg7[%broadcast_in_dim3A_119, %masked_sort3A_109], %div3A_118 masked %lt3A_4 : memref<256x64xf32, #tpu.memory_space<vmem>>[vector<16xi32>, vector<16xi32>], vector<16xf32>, vector<16xi1>
      tpu.vector_store_idx %arg6[%broadcast_in_dim3A_119, %iota3A], %masked_sort3A_109 masked %lt3A_4 : memref<256x8xi32, #tpu.memory_space<vmem>>[vector<16xi32>, vector<16xi32>], vector<16xi32>, vector<16xi1>
    }
    %scan3A_14 = arith.constant 256 : i32
    "tpu.region"() ({
      %run_scoped3A = tpu.sem_alloc : memref<!tpu.dma_semaphore, #tpu.memory_space<semaphore_mem>>
      %dma_start3A = arith.constant 0 : i32
      %dma_start3A_16 = tpu.memref_slice %arg3[%add3A_8, %dma_start3A] : memref<8192x8xi32, #tpu.memory_space<hbm>> -> memref<256x8xi32, #tpu.memory_space<hbm>>
      %dma_start3A_17 = arith.constant 0 : i32
      %dma_start3A_18 = tpu.memref_slice %arg3[%add3A_8, %dma_start3A_17] : memref<8192x8xi32, #tpu.memory_space<hbm>> -> memref<256x8xi32, #tpu.memory_space<hbm>>
      tpu.enqueue_dma source(%arg6 : memref<256x8xi32, #tpu.memory_space<vmem>>) target(%dma_start3A_18 : memref<256x8xi32, #tpu.memory_space<hbm>>) target_semaphore(%run_scoped3A : memref<!tpu.dma_semaphore, #tpu.memory_space<semaphore_mem>>)
      %dma_wait3A = arith.constant 0 : i32
      %dma_wait3A_19 = tpu.memref_slice %arg3[%add3A_8, %dma_wait3A] : memref<8192x8xi32, #tpu.memory_space<hbm>> -> memref<256x8xi32, #tpu.memory_space<hbm>>
      %dma_wait3A_20 = arith.constant 0 : i32
      %dma_wait3A_21 = tpu.memref_slice %arg3[%add3A_8, %dma_wait3A_20] : memref<8192x8xi32, #tpu.memory_space<hbm>> -> memref<256x8xi32, #tpu.memory_space<hbm>>
      tpu.wait_dma2 semaphore(%run_scoped3A : memref<!tpu.dma_semaphore, #tpu.memory_space<semaphore_mem>>) src(%arg6 : memref<256x8xi32, #tpu.memory_space<vmem>>) dst(%dma_wait3A_21 : memref<256x8xi32, #tpu.memory_space<hbm>>)
      tpu.yield
    }) : () -> ()
    "tpu.region"() ({
      %run_scoped3A = tpu.sem_alloc : memref<!tpu.dma_semaphore, #tpu.memory_space<semaphore_mem>>
      %dma_start3A = arith.constant 0 : i32
      %dma_start3A_16 = tpu.memref_slice %arg4[%add3A_8, %dma_start3A] : memref<8192x64xf32, #tpu.memory_space<hbm>> -> memref<256x64xf32, #tpu.memory_space<hbm>>
      %dma_start3A_17 = arith.constant 0 : i32
      %dma_start3A_18 = tpu.memref_slice %arg4[%add3A_8, %dma_start3A_17] : memref<8192x64xf32, #tpu.memory_space<hbm>> -> memref<256x64xf32, #tpu.memory_space<hbm>>
      tpu.enqueue_dma source(%arg7 : memref<256x64xf32, #tpu.memory_space<vmem>>) target(%dma_start3A_18 : memref<256x64xf32, #tpu.memory_space<hbm>>) target_semaphore(%run_scoped3A : memref<!tpu.dma_semaphore, #tpu.memory_space<semaphore_mem>>)
      %dma_wait3A = arith.constant 0 : i32
      %dma_wait3A_19 = tpu.memref_slice %arg4[%add3A_8, %dma_wait3A] : memref<8192x64xf32, #tpu.memory_space<hbm>> -> memref<256x64xf32, #tpu.memory_space<hbm>>
      %dma_wait3A_20 = arith.constant 0 : i32
      %dma_wait3A_21 = tpu.memref_slice %arg4[%add3A_8, %dma_wait3A_20] : memref<8192x64xf32, #tpu.memory_space<hbm>> -> memref<256x64xf32, #tpu.memory_space<hbm>>
      tpu.wait_dma2 semaphore(%run_scoped3A : memref<!tpu.dma_semaphore, #tpu.memory_space<semaphore_mem>>) src(%arg7 : memref<256x64xf32, #tpu.memory_space<vmem>>) dst(%dma_wait3A_21 : memref<256x64xf32, #tpu.memory_space<hbm>>)
      tpu.yield
    }) : () -> ()
    %scan3A_15 = arith.constant 1 : i32
    return
  }
}

#map = affine_map<(d0, d1) -> (0, 0)>
module attributes {stable_mosaic.version = 14 : i64} {
  func.func @_sc_body(%arg0: i32, %arg1: i32, %arg2: memref<8192x64xf32, #tpu.memory_space<hbm>>, %arg3: memref<8192x8xi32, #tpu.memory_space<hbm>>, %arg4: memref<8192x64xf32, #tpu.memory_space<hbm>>, %arg5: memref<256x64xf32, #tpu.memory_space<vmem>>, %arg6: memref<256x8xi32, #tpu.memory_space<vmem>>, %arg7: memref<256x64xf32, #tpu.memory_space<vmem>>) attributes {dimension_semantics = [#tpu.dimension_semantics<core_parallel>, #tpu.dimension_semantics<subcore_parallel>], iteration_bounds = array<i64: 2, 16>, scalar_prefetch = 0 : i64, scratch_operands = 3 : i64, tpu.core_type = #tpu.core_type<sc_vector_subcore>, window_params = [{transform_indices = #map}, {transform_indices = #map}, {transform_indices = #map}]} {
    %mul3A = arith.constant 2 : i32
    %mul3A_0 = arith.muli %arg1, %mul3A : i32
    %add3A = arith.addi %mul3A_0, %arg0 : i32
    %mul3A_1 = arith.constant 256 : i32
    %mul3A_2 = arith.muli %add3A, %mul3A_1 : i32
    %iota3A = tpu.iota {dimensions = array<i32: 0>} : vector<16xi32>
    %lt3A = arith.constant 8 : i32
    %lt3A_3 = vector.broadcast %lt3A : i32 to vector<16xi32>
    %lt3A_4 = arith.cmpi slt, %iota3A, %lt3A_3 : vector<16xi32>
    %scan3A = arith.constant 0 : i32
    %scan3A_5 = arith.constant 0 : i32
    %mul3A_6 = arith.constant 256 : i32
    %mul3A_7 = arith.muli %scan3A_5, %mul3A_6 : i32
    %add3A_8 = arith.addi %mul3A_2, %mul3A_7 : i32
    "tpu.region"() ({
      %run_scoped3A = tpu.sem_alloc : memref<!tpu.dma_semaphore, #tpu.memory_space<semaphore_mem>>
      %dma_start3A = arith.constant 0 : i32
      %dma_start3A_16 = tpu.memref_slice %arg2[%add3A_8, %dma_start3A] : memref<8192x64xf32, #tpu.memory_space<hbm>> -> memref<256x64xf32, #tpu.memory_space<hbm>>
      %dma_start3A_17 = arith.constant 0 : i32
      %dma_start3A_18 = tpu.memref_slice %arg2[%add3A_8, %dma_start3A_17] : memref<8192x64xf32, #tpu.memory_space<hbm>> -> memref<256x64xf32, #tpu.memory_space<hbm>>
      tpu.enqueue_dma source(%dma_start3A_18 : memref<256x64xf32, #tpu.memory_space<hbm>>) target(%arg5 : memref<256x64xf32, #tpu.memory_space<vmem>>) target_semaphore(%run_scoped3A : memref<!tpu.dma_semaphore, #tpu.memory_space<semaphore_mem>>)
      %dma_wait3A = arith.constant 0 : i32
      %dma_wait3A_19 = tpu.memref_slice %arg2[%add3A_8, %dma_wait3A] : memref<8192x64xf32, #tpu.memory_space<hbm>> -> memref<256x64xf32, #tpu.memory_space<hbm>>
      %dma_wait3A_20 = arith.constant 0 : i32
      %dma_wait3A_21 = tpu.memref_slice %arg2[%add3A_8, %dma_wait3A_20] : memref<8192x64xf32, #tpu.memory_space<hbm>> -> memref<256x64xf32, #tpu.memory_space<hbm>>
      tpu.wait_dma2 semaphore(%run_scoped3A : memref<!tpu.dma_semaphore, #tpu.memory_space<semaphore_mem>>) src(%dma_wait3A_21 : memref<256x64xf32, #tpu.memory_space<hbm>>) dst(%arg5 : memref<256x64xf32, #tpu.memory_space<vmem>>)
      tpu.yield
    }) : () -> ()
    %scan3A_9 = arith.constant 0 : i32
    %scan3A_10 = arith.constant 0 : i32
    %scan3A_11 = arith.constant 256 : i32
    %scan3A_12 = arith.addi %scan3A_10, %scan3A_11 : i32
    %scan3A_13 = arith.constant 1 : i32
    scf.for %scan3A_16 = %scan3A_10 to %scan3A_12 step %scan3A_13  : i32 {
      %get3A = arith.index_cast %scan3A_16 : i32 to index
      %get3A_17 = arith.constant 0 : index
      %get3A_18 = tpu.vector_load %arg5[%get3A, %get3A_17] {strides = array<i32>} : memref<256x64xf32, #tpu.memory_space<vmem>>, vector<16xf32>,
      %add3A_19 = arith.constant 0 : i32
      %add3A_20 = vector.broadcast %add3A_19 : i32 to vector<16xi32>
      %add3A_21 = arith.addi %iota3A, %add3A_20 : vector<16xi32>
      %masked_sort3A = arith.constant dense<true> : vector<16xi1>
      %masked_sort3A_22, %masked_sort3A_23, %masked_sort3A_24 = tpu.sort %get3A_18, %add3A_21 masked %masked_sort3A {descending = true} : (vector<16xf32>, vector<16xi32>, vector<16xi1>) -> (vector<16xi1>, vector<16xf32>, vector<16xi32>)
      %get3A_25 = arith.index_cast %scan3A_16 : i32 to index
      %get3A_26 = arith.constant 16 : index
      %get3A_27 = tpu.vector_load %arg5[%get3A_25, %get3A_26] {strides = array<i32>} : memref<256x64xf32, #tpu.memory_space<vmem>>, vector<16xf32>,
      %add3A_28 = arith.constant 16 : i32
      %add3A_29 = vector.broadcast %add3A_28 : i32 to vector<16xi32>
      %add3A_30 = arith.addi %iota3A, %add3A_29 : vector<16xi32>
      %masked_sort3A_31 = arith.constant dense<true> : vector<16xi1>
      %masked_sort3A_32, %masked_sort3A_33, %masked_sort3A_34 = tpu.sort %get3A_27, %add3A_30 masked %masked_sort3A_31 {descending = true} : (vector<16xf32>, vector<16xi32>, vector<16xi1>) -> (vector<16xi1>, vector<16xf32>, vector<16xi32>)
      %get3A_35 = arith.index_cast %scan3A_16 : i32 to index
      %get3A_36 = arith.constant 32 : index
      %get3A_37 = tpu.vector_load %arg5[%get3A_35, %get3A_36] {strides = array<i32>} : memref<256x64xf32, #tpu.memory_space<vmem>>, vector<16xf32>,
      %add3A_38 = arith.constant 32 : i32
      %add3A_39 = vector.broadcast %add3A_38 : i32 to vector<16xi32>
      %add3A_40 = arith.addi %iota3A, %add3A_39 : vector<16xi32>
      %masked_sort3A_41 = arith.constant dense<true> : vector<16xi1>
      %masked_sort3A_42, %masked_sort3A_43, %masked_sort3A_44 = tpu.sort %get3A_37, %add3A_40 masked %masked_sort3A_41 {descending = true} : (vector<16xf32>, vector<16xi32>, vector<16xi1>) -> (vector<16xi1>, vector<16xf32>, vector<16xi32>)
      %get3A_45 = arith.index_cast %scan3A_16 : i32 to index
      %get3A_46 = arith.constant 48 : index
      %get3A_47 = tpu.vector_load %arg5[%get3A_45, %get3A_46] {strides = array<i32>} : memref<256x64xf32, #tpu.memory_space<vmem>>, vector<16xf32>,
      %add3A_48 = arith.constant 48 : i32
      %add3A_49 = vector.broadcast %add3A_48 : i32 to vector<16xi32>
      %add3A_50 = arith.addi %iota3A, %add3A_49 : vector<16xi32>
      %masked_sort3A_51 = arith.constant dense<true> : vector<16xi1>
      %masked_sort3A_52, %masked_sort3A_53, %masked_sort3A_54 = tpu.sort %get3A_47, %add3A_50 masked %masked_sort3A_51 {descending = true} : (vector<16xf32>, vector<16xi32>, vector<16xi1>) -> (vector<16xi1>, vector<16xf32>, vector<16xi32>)
      %rev3A = arith.constant 15 : i32
      %rev3A_55 = vector.broadcast %rev3A : i32 to vector<16xi32>
      %rev3A_56 = tpu.iota {dimensions = array<i32: 0>} : vector<16xi32>
      %rev3A_57 = arith.subi %rev3A_55, %rev3A_56 : vector<16xi32>
      %rev3A_58 = tpu.dynamic_gather %masked_sort3A_33[%rev3A_57] in [0] : vector<16xf32>, vector<16xi32> -> vector<16xf32>
      %rev3A_59 = arith.constant 15 : i32
      %rev3A_60 = vector.broadcast %rev3A_59 : i32 to vector<16xi32>
      %rev3A_61 = tpu.iota {dimensions = array<i32: 0>} : vector<16xi32>
      %rev3A_62 = arith.subi %rev3A_60, %rev3A_61 : vector<16xi32>
      %rev3A_63 = tpu.dynamic_gather %masked_sort3A_34[%rev3A_62] in [0] : vector<16xi32>, vector<16xi32> -> vector<16xi32>
      %lt3A_64 = arith.constant 8 : i32
      %lt3A_65 = vector.broadcast %lt3A_64 : i32 to vector<16xi32>
      %lt3A_66 = arith.cmpi slt, %iota3A, %lt3A_65 : vector<16xi32>
      %select_n3A = arith.select %lt3A_66, %masked_sort3A_23, %rev3A_58 : vector<16xi1>, vector<16xf32>
      %select_n3A_67 = arith.select %lt3A_66, %masked_sort3A_24, %rev3A_63 : vector<16xi1>, vector<16xi32>
      %masked_sort3A_68 = arith.constant dense<true> : vector<16xi1>
      %masked_sort3A_69, %masked_sort3A_70, %masked_sort3A_71 = tpu.sort %select_n3A, %select_n3A_67 masked %masked_sort3A_68 {descending = true} : (vector<16xf32>, vector<16xi32>, vector<16xi1>) -> (vector<16xi1>, vector<16xf32>, vector<16xi32>)
      %rev3A_72 = arith.constant 15 : i32
      %rev3A_73 = vector.broadcast %rev3A_72 : i32 to vector<16xi32>
      %rev3A_74 = tpu.iota {dimensions = array<i32: 0>} : vector<16xi32>
      %rev3A_75 = arith.subi %rev3A_73, %rev3A_74 : vector<16xi32>
      %rev3A_76 = tpu.dynamic_gather %masked_sort3A_53[%rev3A_75] in [0] : vector<16xf32>, vector<16xi32> -> vector<16xf32>
      %rev3A_77 = arith.constant 15 : i32
      %rev3A_78 = vector.broadcast %rev3A_77 : i32 to vector<16xi32>
      %rev3A_79 = tpu.iota {dimensions = array<i32: 0>} : vector<16xi32>
      %rev3A_80 = arith.subi %rev3A_78, %rev3A_79 : vector<16xi32>
      %rev3A_81 = tpu.dynamic_gather %masked_sort3A_54[%rev3A_80] in [0] : vector<16xi32>, vector<16xi32> -> vector<16xi32>
      %lt3A_82 = arith.constant 8 : i32
      %lt3A_83 = vector.broadcast %lt3A_82 : i32 to vector<16xi32>
      %lt3A_84 = arith.cmpi slt, %iota3A, %lt3A_83 : vector<16xi32>
      %select_n3A_85 = arith.select %lt3A_84, %masked_sort3A_43, %rev3A_76 : vector<16xi1>, vector<16xf32>
      %select_n3A_86 = arith.select %lt3A_84, %masked_sort3A_44, %rev3A_81 : vector<16xi1>, vector<16xi32>
      %masked_sort3A_87 = arith.constant dense<true> : vector<16xi1>
      %masked_sort3A_88, %masked_sort3A_89, %masked_sort3A_90 = tpu.sort %select_n3A_85, %select_n3A_86 masked %masked_sort3A_87 {descending = true} : (vector<16xf32>, vector<16xi32>, vector<16xi1>) -> (vector<16xi1>, vector<16xf32>, vector<16xi32>)
      %rev3A_91 = arith.constant 15 : i32
      %rev3A_92 = vector.broadcast %rev3A_91 : i32 to vector<16xi32>
      %rev3A_93 = tpu.iota {dimensions = array<i32: 0>} : vector<16xi32>
      %rev3A_94 = arith.subi %rev3A_92, %rev3A_93 : vector<16xi32>
      %rev3A_95 = tpu.dynamic_gather %masked_sort3A_89[%rev3A_94] in [0] : vector<16xf32>, vector<16xi32> -> vector<16xf32>
      %rev3A_96 = arith.constant 15 : i32
      %rev3A_97 = vector.broadcast %rev3A_96 : i32 to vector<16xi32>
      %rev3A_98 = tpu.iota {dimensions = array<i32: 0>} : vector<16xi32>
      %rev3A_99 = arith.subi %rev3A_97, %rev3A_98 : vector<16xi32>
      %rev3A_100 = tpu.dynamic_gather %masked_sort3A_90[%rev3A_99] in [0] : vector<16xi32>, vector<16xi32> -> vector<16xi32>
      %lt3A_101 = arith.constant 8 : i32
      %lt3A_102 = vector.broadcast %lt3A_101 : i32 to vector<16xi32>
      %lt3A_103 = arith.cmpi slt, %iota3A, %lt3A_102 : vector<16xi32>
      %select_n3A_104 = arith.select %lt3A_103, %masked_sort3A_70, %rev3A_95 : vector<16xi1>, vector<16xf32>
      %select_n3A_105 = arith.select %lt3A_103, %masked_sort3A_71, %rev3A_100 : vector<16xi1>, vector<16xi32>
      %masked_sort3A_106 = arith.constant dense<true> : vector<16xi1>
      %masked_sort3A_107, %masked_sort3A_108, %masked_sort3A_109 = tpu.sort %select_n3A_104, %select_n3A_105 masked %masked_sort3A_106 {descending = true} : (vector<16xf32>, vector<16xi32>, vector<16xi1>) -> (vector<16xi1>, vector<16xf32>, vector<16xi32>)
      %reduce_max3A = arith.constant true
      %reduce_max3A_110 = vector.broadcast %reduce_max3A : i1 to vector<16xi1>
      %reduce_max3A_111 = tpu.scan <max>, %masked_sort3A_108 masked %reduce_max3A_110 : vector<16xf32>, vector<16xi1> -> vector<16xf32>
      %reduce_max3A_112 = vector.extract %reduce_max3A_111[15] : f32 from vector<16xf32>
      %sub3A = vector.broadcast %reduce_max3A_112 : f32 to vector<16xf32>
      %sub3A_113 = arith.subf %masked_sort3A_108, %sub3A : vector<16xf32>
      %exp3A = math.exp %sub3A_113 : vector<16xf32>
      %jit3A = arith.constant 0.000000e+00 : f32
      %broadcast_in_dim3A = vector.broadcast %jit3A : f32 to vector<16xf32>
      %select_n3A_114 = arith.select %lt3A_4, %exp3A, %broadcast_in_dim3A : vector<16xi1>, vector<16xf32>
      %reduce_sum3A = arith.constant true
      %reduce_sum3A_115 = vector.broadcast %reduce_sum3A : i1 to vector<16xi1>
      %reduce_sum3A_116 = tpu.scan <sum>, %select_n3A_114 masked %reduce_sum3A_115 : vector<16xf32>, vector<16xi1> -> vector<16xf32>
      %reduce_sum3A_117 = vector.extract %reduce_sum3A_116[15] : f32 from vector<16xf32>
      %div3A = vector.broadcast %reduce_sum3A_117 : f32 to vector<16xf32>
      %div3A_118 = arith.divf %select_n3A_114, %div3A : vector<16xf32>
      %broadcast_in_dim3A_119 = vector.broadcast %scan3A_16 : i32 to vector<16xi32>
      %broadcast_in_dim3A_120 = arith.constant 0.000000e+00 : f32
      %broadcast_in_dim3A_121 = vector.broadcast %broadcast_in_dim3A_120 : f32 to vector<16xf32>
      %swap3A = arith.index_cast %scan3A_16 : i32 to index
      %swap3A_122 = arith.constant 0 : index
      %swap3A_123 = tpu.vector_load %arg7[%swap3A, %swap3A_122] {strides = array<i32>} : memref<256x64xf32, #tpu.memory_space<vmem>>, vector<16xf32>,
      tpu.vector_store %arg7[%swap3A, %swap3A_122], %broadcast_in_dim3A_121 {strides = array<i32>} : memref<256x64xf32, #tpu.memory_space<vmem>>, vector<16xf32>,
      %broadcast_in_dim3A_124 = arith.constant 0.000000e+00 : f32
      %broadcast_in_dim3A_125 = vector.broadcast %broadcast_in_dim3A_124 : f32 to vector<16xf32>
      %swap3A_126 = arith.index_cast %scan3A_16 : i32 to index
      %swap3A_127 = arith.constant 16 : index
      %swap3A_128 = tpu.vector_load %arg7[%swap3A_126, %swap3A_127] {strides = array<i32>} : memref<256x64xf32, #tpu.memory_space<vmem>>, vector<16xf32>,
      tpu.vector_store %arg7[%swap3A_126, %swap3A_127], %broadcast_in_dim3A_125 {strides = array<i32>} : memref<256x64xf32, #tpu.memory_space<vmem>>, vector<16xf32>,
      %broadcast_in_dim3A_129 = arith.constant 0.000000e+00 : f32
      %broadcast_in_dim3A_130 = vector.broadcast %broadcast_in_dim3A_129 : f32 to vector<16xf32>
      %swap3A_131 = arith.index_cast %scan3A_16 : i32 to index
      %swap3A_132 = arith.constant 32 : index
      %swap3A_133 = tpu.vector_load %arg7[%swap3A_131, %swap3A_132] {strides = array<i32>} : memref<256x64xf32, #tpu.memory_space<vmem>>, vector<16xf32>,
      tpu.vector_store %arg7[%swap3A_131, %swap3A_132], %broadcast_in_dim3A_130 {strides = array<i32>} : memref<256x64xf32, #tpu.memory_space<vmem>>, vector<16xf32>,
      %broadcast_in_dim3A_134 = arith.constant 0.000000e+00 : f32
      %broadcast_in_dim3A_135 = vector.broadcast %broadcast_in_dim3A_134 : f32 to vector<16xf32>
      %swap3A_136 = arith.index_cast %scan3A_16 : i32 to index
      %swap3A_137 = arith.constant 48 : index
      %swap3A_138 = tpu.vector_load %arg7[%swap3A_136, %swap3A_137] {strides = array<i32>} : memref<256x64xf32, #tpu.memory_space<vmem>>, vector<16xf32>,
      tpu.vector_store %arg7[%swap3A_136, %swap3A_137], %broadcast_in_dim3A_135 {strides = array<i32>} : memref<256x64xf32, #tpu.memory_space<vmem>>, vector<16xf32>,
      tpu.vector_store_idx %arg7[%broadcast_in_dim3A_119, %masked_sort3A_109], %div3A_118 masked %lt3A_4 : memref<256x64xf32, #tpu.memory_space<vmem>>[vector<16xi32>, vector<16xi32>], vector<16xf32>, vector<16xi1>
      tpu.vector_store_idx %arg6[%broadcast_in_dim3A_119, %iota3A], %masked_sort3A_109 masked %lt3A_4 : memref<256x8xi32, #tpu.memory_space<vmem>>[vector<16xi32>, vector<16xi32>], vector<16xi32>, vector<16xi1>
    }
    %scan3A_14 = arith.constant 256 : i32
    "tpu.region"() ({
      %run_scoped3A = tpu.sem_alloc : memref<!tpu.dma_semaphore, #tpu.memory_space<semaphore_mem>>
      %dma_start3A = arith.constant 0 : i32
      %dma_start3A_16 = tpu.memref_slice %arg3[%add3A_8, %dma_start3A] : memref<8192x8xi32, #tpu.memory_space<hbm>> -> memref<256x8xi32, #tpu.memory_space<hbm>>
      %dma_start3A_17 = arith.constant 0 : i32
      %dma_start3A_18 = tpu.memref_slice %arg3[%add3A_8, %dma_start3A_17] : memref<8192x8xi32, #tpu.memory_space<hbm>> -> memref<256x8xi32, #tpu.memory_space<hbm>>
      tpu.enqueue_dma source(%arg6 : memref<256x8xi32, #tpu.memory_space<vmem>>) target(%dma_start3A_18 : memref<256x8xi32, #tpu.memory_space<hbm>>) target_semaphore(%run_scoped3A : memref<!tpu.dma_semaphore, #tpu.memory_space<semaphore_mem>>)
      %dma_wait3A = arith.constant 0 : i32
      %dma_wait3A_19 = tpu.memref_slice %arg3[%add3A_8, %dma_wait3A] : memref<8192x8xi32, #tpu.memory_space<hbm>> -> memref<256x8xi32, #tpu.memory_space<hbm>>
      %dma_wait3A_20 = arith.constant 0 : i32
      %dma_wait3A_21 = tpu.memref_slice %arg3[%add3A_8, %dma_wait3A_20] : memref<8192x8xi32, #tpu.memory_space<hbm>> -> memref<256x8xi32, #tpu.memory_space<hbm>>
      tpu.wait_dma2 semaphore(%run_scoped3A : memref<!tpu.dma_semaphore, #tpu.memory_space<semaphore_mem>>) src(%arg6 : memref<256x8xi32, #tpu.memory_space<vmem>>) dst(%dma_wait3A_21 : memref<256x8xi32, #tpu.memory_space<hbm>>)
      tpu.yield
    }) : () -> ()
    "tpu.region"() ({
      %run_scoped3A = tpu.sem_alloc : memref<!tpu.dma_semaphore, #tpu.memory_space<semaphore_mem>>
      %dma_start3A = arith.constant 0 : i32
      %dma_start3A_16 = tpu.memref_slice %arg4[%add3A_8, %dma_start3A] : memref<8192x64xf32, #tpu.memory_space<hbm>> -> memref<256x64xf32, #tpu.memory_space<hbm>>
      %dma_start3A_17 = arith.constant 0 : i32
      %dma_start3A_18 = tpu.memref_slice %arg4[%add3A_8, %dma_start3A_17] : memref<8192x64xf32, #tpu.memory_space<hbm>> -> memref<256x64xf32, #tpu.memory_space<hbm>>
      tpu.enqueue_dma source(%arg7 : memref<256x64xf32, #tpu.memory_space<vmem>>) target(%dma_start3A_18 : memref<256x64xf32, #tpu.memory_space<hbm>>) target_semaphore(%run_scoped3A : memref<!tpu.dma_semaphore, #tpu.memory_space<semaphore_mem>>)
      %dma_wait3A = arith.constant 0 : i32
      %dma_wait3A_19 = tpu.memref_slice %arg4[%add3A_8, %dma_wait3A] : memref<8192x64xf32, #tpu.memory_space<hbm>> -> memref<256x64xf32, #tpu.memory_space<hbm>>
      %dma_wait3A_20 = arith.constant 0 : i32
      %dma_wait3A_21 = tpu.memref_slice %arg4[%add3A_8, %dma_wait3A_20] : memref<8192x64xf32, #tpu.memory_space<hbm>> -> memref<256x64xf32, #tpu.memory_space<hbm>>
      tpu.wait_dma2 semaphore(%run_scoped3A : memref<!tpu.dma_semaphore, #tpu.memory_space<semaphore_mem>>) src(%arg7 : memref<256x64xf32, #tpu.memory_space<vmem>>) dst(%dma_wait3A_21 : memref<256x64xf32, #tpu.memory_space<hbm>>)
      tpu.yield
    }) : () -> ()
    %scan3A_15 = arith.constant 1 : i32
    return
  }
}

#map = affine_map<(d0, d1) -> (0, 0)>
module attributes {stable_mosaic.version = 14 : i64} {
  func.func @_sc_body(%arg0: i32, %arg1: i32, %arg2: memref<8192x64xf32, #tpu.memory_space<hbm>>, %arg3: memref<8192x8xi32, #tpu.memory_space<hbm>>, %arg4: memref<8192x64xf32, #tpu.memory_space<hbm>>, %arg5: memref<256x64xf32, #tpu.memory_space<vmem>>, %arg6: memref<256x8xi32, #tpu.memory_space<vmem>>, %arg7: memref<256x64xf32, #tpu.memory_space<vmem>>) attributes {dimension_semantics = [#tpu.dimension_semantics<core_parallel>, #tpu.dimension_semantics<subcore_parallel>], iteration_bounds = array<i64: 2, 16>, scalar_prefetch = 0 : i64, scratch_operands = 3 : i64, tpu.core_type = #tpu.core_type<sc_vector_subcore>, window_params = [{transform_indices = #map}, {transform_indices = #map}, {transform_indices = #map}]} {
    %mul3A = arith.constant 2 : i32
    %mul3A_0 = arith.muli %arg1, %mul3A : i32
    %add3A = arith.addi %mul3A_0, %arg0 : i32
    %mul3A_1 = arith.constant 256 : i32
    %mul3A_2 = arith.muli %add3A, %mul3A_1 : i32
    %iota3A = tpu.iota {dimensions = array<i32: 0>} : vector<16xi32>
    %lt3A = arith.constant 8 : i32
    %lt3A_3 = vector.broadcast %lt3A : i32 to vector<16xi32>
    %lt3A_4 = arith.cmpi slt, %iota3A, %lt3A_3 : vector<16xi32>
    %scan3A = arith.constant 0 : i32
    %scan3A_5 = arith.constant 0 : i32
    %mul3A_6 = arith.constant 256 : i32
    %mul3A_7 = arith.muli %scan3A_5, %mul3A_6 : i32
    %add3A_8 = arith.addi %mul3A_2, %mul3A_7 : i32
    "tpu.region"() ({
      %run_scoped3A = tpu.sem_alloc : memref<!tpu.dma_semaphore, #tpu.memory_space<semaphore_mem>>
      %dma_start3A = arith.constant 0 : i32
      %dma_start3A_16 = tpu.memref_slice %arg2[%add3A_8, %dma_start3A] : memref<8192x64xf32, #tpu.memory_space<hbm>> -> memref<256x64xf32, #tpu.memory_space<hbm>>
      %dma_start3A_17 = arith.constant 0 : i32
      %dma_start3A_18 = tpu.memref_slice %arg2[%add3A_8, %dma_start3A_17] : memref<8192x64xf32, #tpu.memory_space<hbm>> -> memref<256x64xf32, #tpu.memory_space<hbm>>
      tpu.enqueue_dma source(%dma_start3A_18 : memref<256x64xf32, #tpu.memory_space<hbm>>) target(%arg5 : memref<256x64xf32, #tpu.memory_space<vmem>>) target_semaphore(%run_scoped3A : memref<!tpu.dma_semaphore, #tpu.memory_space<semaphore_mem>>)
      %dma_wait3A = arith.constant 0 : i32
      %dma_wait3A_19 = tpu.memref_slice %arg2[%add3A_8, %dma_wait3A] : memref<8192x64xf32, #tpu.memory_space<hbm>> -> memref<256x64xf32, #tpu.memory_space<hbm>>
      %dma_wait3A_20 = arith.constant 0 : i32
      %dma_wait3A_21 = tpu.memref_slice %arg2[%add3A_8, %dma_wait3A_20] : memref<8192x64xf32, #tpu.memory_space<hbm>> -> memref<256x64xf32, #tpu.memory_space<hbm>>
      tpu.wait_dma2 semaphore(%run_scoped3A : memref<!tpu.dma_semaphore, #tpu.memory_space<semaphore_mem>>) src(%dma_wait3A_21 : memref<256x64xf32, #tpu.memory_space<hbm>>) dst(%arg5 : memref<256x64xf32, #tpu.memory_space<vmem>>)
      tpu.yield
    }) : () -> ()
    %scan3A_9 = arith.constant 0 : i32
    %scan3A_10 = arith.constant 0 : i32
    %scan3A_11 = arith.constant 256 : i32
    %scan3A_12 = arith.addi %scan3A_10, %scan3A_11 : i32
    %scan3A_13 = arith.constant 1 : i32
    scf.for %scan3A_16 = %scan3A_10 to %scan3A_12 step %scan3A_13  : i32 {
      %get3A = arith.index_cast %scan3A_16 : i32 to index
      %get3A_17 = arith.constant 0 : index
      %get3A_18 = tpu.vector_load %arg5[%get3A, %get3A_17] {strides = array<i32>} : memref<256x64xf32, #tpu.memory_space<vmem>>, vector<16xf32>,
      %add3A_19 = arith.constant 0 : i32
      %add3A_20 = vector.broadcast %add3A_19 : i32 to vector<16xi32>
      %add3A_21 = arith.addi %iota3A, %add3A_20 : vector<16xi32>
      %masked_sort3A = arith.constant dense<true> : vector<16xi1>
      %masked_sort3A_22, %masked_sort3A_23, %masked_sort3A_24 = tpu.sort %get3A_18, %add3A_21 masked %masked_sort3A {descending = true} : (vector<16xf32>, vector<16xi32>, vector<16xi1>) -> (vector<16xi1>, vector<16xf32>, vector<16xi32>)
      %get3A_25 = arith.index_cast %scan3A_16 : i32 to index
      %get3A_26 = arith.constant 16 : index
      %get3A_27 = tpu.vector_load %arg5[%get3A_25, %get3A_26] {strides = array<i32>} : memref<256x64xf32, #tpu.memory_space<vmem>>, vector<16xf32>,
      %add3A_28 = arith.constant 16 : i32
      %add3A_29 = vector.broadcast %add3A_28 : i32 to vector<16xi32>
      %add3A_30 = arith.addi %iota3A, %add3A_29 : vector<16xi32>
      %masked_sort3A_31 = arith.constant dense<true> : vector<16xi1>
      %masked_sort3A_32, %masked_sort3A_33, %masked_sort3A_34 = tpu.sort %get3A_27, %add3A_30 masked %masked_sort3A_31 {descending = true} : (vector<16xf32>, vector<16xi32>, vector<16xi1>) -> (vector<16xi1>, vector<16xf32>, vector<16xi32>)
      %get3A_35 = arith.index_cast %scan3A_16 : i32 to index
      %get3A_36 = arith.constant 32 : index
      %get3A_37 = tpu.vector_load %arg5[%get3A_35, %get3A_36] {strides = array<i32>} : memref<256x64xf32, #tpu.memory_space<vmem>>, vector<16xf32>,
      %add3A_38 = arith.constant 32 : i32
      %add3A_39 = vector.broadcast %add3A_38 : i32 to vector<16xi32>
      %add3A_40 = arith.addi %iota3A, %add3A_39 : vector<16xi32>
      %masked_sort3A_41 = arith.constant dense<true> : vector<16xi1>
      %masked_sort3A_42, %masked_sort3A_43, %masked_sort3A_44 = tpu.sort %get3A_37, %add3A_40 masked %masked_sort3A_41 {descending = true} : (vector<16xf32>, vector<16xi32>, vector<16xi1>) -> (vector<16xi1>, vector<16xf32>, vector<16xi32>)
      %get3A_45 = arith.index_cast %scan3A_16 : i32 to index
      %get3A_46 = arith.constant 48 : index
      %get3A_47 = tpu.vector_load %arg5[%get3A_45, %get3A_46] {strides = array<i32>} : memref<256x64xf32, #tpu.memory_space<vmem>>, vector<16xf32>,
      %add3A_48 = arith.constant 48 : i32
      %add3A_49 = vector.broadcast %add3A_48 : i32 to vector<16xi32>
      %add3A_50 = arith.addi %iota3A, %add3A_49 : vector<16xi32>
      %masked_sort3A_51 = arith.constant dense<true> : vector<16xi1>
      %masked_sort3A_52, %masked_sort3A_53, %masked_sort3A_54 = tpu.sort %get3A_47, %add3A_50 masked %masked_sort3A_51 {descending = true} : (vector<16xf32>, vector<16xi32>, vector<16xi1>) -> (vector<16xi1>, vector<16xf32>, vector<16xi32>)
      %rev3A = arith.constant 15 : i32
      %rev3A_55 = vector.broadcast %rev3A : i32 to vector<16xi32>
      %rev3A_56 = tpu.iota {dimensions = array<i32: 0>} : vector<16xi32>
      %rev3A_57 = arith.subi %rev3A_55, %rev3A_56 : vector<16xi32>
      %rev3A_58 = tpu.dynamic_gather %masked_sort3A_33[%rev3A_57] in [0] : vector<16xf32>, vector<16xi32> -> vector<16xf32>
      %rev3A_59 = arith.constant 15 : i32
      %rev3A_60 = vector.broadcast %rev3A_59 : i32 to vector<16xi32>
      %rev3A_61 = tpu.iota {dimensions = array<i32: 0>} : vector<16xi32>
      %rev3A_62 = arith.subi %rev3A_60, %rev3A_61 : vector<16xi32>
      %rev3A_63 = tpu.dynamic_gather %masked_sort3A_34[%rev3A_62] in [0] : vector<16xi32>, vector<16xi32> -> vector<16xi32>
      %lt3A_64 = arith.constant 8 : i32
      %lt3A_65 = vector.broadcast %lt3A_64 : i32 to vector<16xi32>
      %lt3A_66 = arith.cmpi slt, %iota3A, %lt3A_65 : vector<16xi32>
      %select_n3A = arith.select %lt3A_66, %masked_sort3A_23, %rev3A_58 : vector<16xi1>, vector<16xf32>
      %select_n3A_67 = arith.select %lt3A_66, %masked_sort3A_24, %rev3A_63 : vector<16xi1>, vector<16xi32>
      %masked_sort3A_68 = arith.constant dense<true> : vector<16xi1>
      %masked_sort3A_69, %masked_sort3A_70, %masked_sort3A_71 = tpu.sort %select_n3A, %select_n3A_67 masked %masked_sort3A_68 {descending = true} : (vector<16xf32>, vector<16xi32>, vector<16xi1>) -> (vector<16xi1>, vector<16xf32>, vector<16xi32>)
      %rev3A_72 = arith.constant 15 : i32
      %rev3A_73 = vector.broadcast %rev3A_72 : i32 to vector<16xi32>
      %rev3A_74 = tpu.iota {dimensions = array<i32: 0>} : vector<16xi32>
      %rev3A_75 = arith.subi %rev3A_73, %rev3A_74 : vector<16xi32>
      %rev3A_76 = tpu.dynamic_gather %masked_sort3A_53[%rev3A_75] in [0] : vector<16xf32>, vector<16xi32> -> vector<16xf32>
      %rev3A_77 = arith.constant 15 : i32
      %rev3A_78 = vector.broadcast %rev3A_77 : i32 to vector<16xi32>
      %rev3A_79 = tpu.iota {dimensions = array<i32: 0>} : vector<16xi32>
      %rev3A_80 = arith.subi %rev3A_78, %rev3A_79 : vector<16xi32>
      %rev3A_81 = tpu.dynamic_gather %masked_sort3A_54[%rev3A_80] in [0] : vector<16xi32>, vector<16xi32> -> vector<16xi32>
      %lt3A_82 = arith.constant 8 : i32
      %lt3A_83 = vector.broadcast %lt3A_82 : i32 to vector<16xi32>
      %lt3A_84 = arith.cmpi slt, %iota3A, %lt3A_83 : vector<16xi32>
      %select_n3A_85 = arith.select %lt3A_84, %masked_sort3A_43, %rev3A_76 : vector<16xi1>, vector<16xf32>
      %select_n3A_86 = arith.select %lt3A_84, %masked_sort3A_44, %rev3A_81 : vector<16xi1>, vector<16xi32>
      %masked_sort3A_87 = arith.constant dense<true> : vector<16xi1>
      %masked_sort3A_88, %masked_sort3A_89, %masked_sort3A_90 = tpu.sort %select_n3A_85, %select_n3A_86 masked %masked_sort3A_87 {descending = true} : (vector<16xf32>, vector<16xi32>, vector<16xi1>) -> (vector<16xi1>, vector<16xf32>, vector<16xi32>)
      %rev3A_91 = arith.constant 15 : i32
      %rev3A_92 = vector.broadcast %rev3A_91 : i32 to vector<16xi32>
      %rev3A_93 = tpu.iota {dimensions = array<i32: 0>} : vector<16xi32>
      %rev3A_94 = arith.subi %rev3A_92, %rev3A_93 : vector<16xi32>
      %rev3A_95 = tpu.dynamic_gather %masked_sort3A_89[%rev3A_94] in [0] : vector<16xf32>, vector<16xi32> -> vector<16xf32>
      %rev3A_96 = arith.constant 15 : i32
      %rev3A_97 = vector.broadcast %rev3A_96 : i32 to vector<16xi32>
      %rev3A_98 = tpu.iota {dimensions = array<i32: 0>} : vector<16xi32>
      %rev3A_99 = arith.subi %rev3A_97, %rev3A_98 : vector<16xi32>
      %rev3A_100 = tpu.dynamic_gather %masked_sort3A_90[%rev3A_99] in [0] : vector<16xi32>, vector<16xi32> -> vector<16xi32>
      %lt3A_101 = arith.constant 8 : i32
      %lt3A_102 = vector.broadcast %lt3A_101 : i32 to vector<16xi32>
      %lt3A_103 = arith.cmpi slt, %iota3A, %lt3A_102 : vector<16xi32>
      %select_n3A_104 = arith.select %lt3A_103, %masked_sort3A_70, %rev3A_95 : vector<16xi1>, vector<16xf32>
      %select_n3A_105 = arith.select %lt3A_103, %masked_sort3A_71, %rev3A_100 : vector<16xi1>, vector<16xi32>
      %masked_sort3A_106 = arith.constant dense<true> : vector<16xi1>
      %masked_sort3A_107, %masked_sort3A_108, %masked_sort3A_109 = tpu.sort %select_n3A_104, %select_n3A_105 masked %masked_sort3A_106 {descending = true} : (vector<16xf32>, vector<16xi32>, vector<16xi1>) -> (vector<16xi1>, vector<16xf32>, vector<16xi32>)
      %reduce_max3A = arith.constant true
      %reduce_max3A_110 = vector.broadcast %reduce_max3A : i1 to vector<16xi1>
      %reduce_max3A_111 = tpu.scan <max>, %masked_sort3A_108 masked %reduce_max3A_110 : vector<16xf32>, vector<16xi1> -> vector<16xf32>
      %reduce_max3A_112 = vector.extract %reduce_max3A_111[15] : f32 from vector<16xf32>
      %sub3A = vector.broadcast %reduce_max3A_112 : f32 to vector<16xf32>
      %sub3A_113 = arith.subf %masked_sort3A_108, %sub3A : vector<16xf32>
      %exp3A = math.exp %sub3A_113 : vector<16xf32>
      %jit3A = arith.constant 0.000000e+00 : f32
      %broadcast_in_dim3A = vector.broadcast %jit3A : f32 to vector<16xf32>
      %select_n3A_114 = arith.select %lt3A_4, %exp3A, %broadcast_in_dim3A : vector<16xi1>, vector<16xf32>
      %reduce_sum3A = arith.constant true
      %reduce_sum3A_115 = vector.broadcast %reduce_sum3A : i1 to vector<16xi1>
      %reduce_sum3A_116 = tpu.scan <sum>, %select_n3A_114 masked %reduce_sum3A_115 : vector<16xf32>, vector<16xi1> -> vector<16xf32>
      %reduce_sum3A_117 = vector.extract %reduce_sum3A_116[15] : f32 from vector<16xf32>
      %div3A = vector.broadcast %reduce_sum3A_117 : f32 to vector<16xf32>
      %div3A_118 = arith.divf %select_n3A_114, %div3A : vector<16xf32>
      %broadcast_in_dim3A_119 = vector.broadcast %scan3A_16 : i32 to vector<16xi32>
      %broadcast_in_dim3A_120 = arith.constant 0.000000e+00 : f32
      %broadcast_in_dim3A_121 = vector.broadcast %broadcast_in_dim3A_120 : f32 to vector<16xf32>
      %swap3A = arith.index_cast %scan3A_16 : i32 to index
      %swap3A_122 = arith.constant 0 : index
      %swap3A_123 = tpu.vector_load %arg7[%swap3A, %swap3A_122] {strides = array<i32>} : memref<256x64xf32, #tpu.memory_space<vmem>>, vector<16xf32>,
      tpu.vector_store %arg7[%swap3A, %swap3A_122], %broadcast_in_dim3A_121 {strides = array<i32>} : memref<256x64xf32, #tpu.memory_space<vmem>>, vector<16xf32>,
      %broadcast_in_dim3A_124 = arith.constant 0.000000e+00 : f32
      %broadcast_in_dim3A_125 = vector.broadcast %broadcast_in_dim3A_124 : f32 to vector<16xf32>
      %swap3A_126 = arith.index_cast %scan3A_16 : i32 to index
      %swap3A_127 = arith.constant 16 : index
      %swap3A_128 = tpu.vector_load %arg7[%swap3A_126, %swap3A_127] {strides = array<i32>} : memref<256x64xf32, #tpu.memory_space<vmem>>, vector<16xf32>,
      tpu.vector_store %arg7[%swap3A_126, %swap3A_127], %broadcast_in_dim3A_125 {strides = array<i32>} : memref<256x64xf32, #tpu.memory_space<vmem>>, vector<16xf32>,
      %broadcast_in_dim3A_129 = arith.constant 0.000000e+00 : f32
      %broadcast_in_dim3A_130 = vector.broadcast %broadcast_in_dim3A_129 : f32 to vector<16xf32>
      %swap3A_131 = arith.index_cast %scan3A_16 : i32 to index
      %swap3A_132 = arith.constant 32 : index
      %swap3A_133 = tpu.vector_load %arg7[%swap3A_131, %swap3A_132] {strides = array<i32>} : memref<256x64xf32, #tpu.memory_space<vmem>>, vector<16xf32>,
      tpu.vector_store %arg7[%swap3A_131, %swap3A_132], %broadcast_in_dim3A_130 {strides = array<i32>} : memref<256x64xf32, #tpu.memory_space<vmem>>, vector<16xf32>,
      %broadcast_in_dim3A_134 = arith.constant 0.000000e+00 : f32
      %broadcast_in_dim3A_135 = vector.broadcast %broadcast_in_dim3A_134 : f32 to vector<16xf32>
      %swap3A_136 = arith.index_cast %scan3A_16 : i32 to index
      %swap3A_137 = arith.constant 48 : index
      %swap3A_138 = tpu.vector_load %arg7[%swap3A_136, %swap3A_137] {strides = array<i32>} : memref<256x64xf32, #tpu.memory_space<vmem>>, vector<16xf32>,
      tpu.vector_store %arg7[%swap3A_136, %swap3A_137], %broadcast_in_dim3A_135 {strides = array<i32>} : memref<256x64xf32, #tpu.memory_space<vmem>>, vector<16xf32>,
      tpu.vector_store_idx %arg7[%broadcast_in_dim3A_119, %masked_sort3A_109], %div3A_118 masked %lt3A_4 : memref<256x64xf32, #tpu.memory_space<vmem>>[vector<16xi32>, vector<16xi32>], vector<16xf32>, vector<16xi1>
      tpu.vector_store_idx %arg6[%broadcast_in_dim3A_119, %iota3A], %masked_sort3A_109 masked %lt3A_4 : memref<256x8xi32, #tpu.memory_space<vmem>>[vector<16xi32>, vector<16xi32>], vector<16xi32>, vector<16xi1>
    }
    %scan3A_14 = arith.constant 256 : i32
    "tpu.region"() ({
      %run_scoped3A = tpu.sem_alloc : memref<!tpu.dma_semaphore, #tpu.memory_space<semaphore_mem>>
      %dma_start3A = arith.constant 0 : i32
      %dma_start3A_16 = tpu.memref_slice %arg3[%add3A_8, %dma_start3A] : memref<8192x8xi32, #tpu.memory_space<hbm>> -> memref<256x8xi32, #tpu.memory_space<hbm>>
      %dma_start3A_17 = arith.constant 0 : i32
      %dma_start3A_18 = tpu.memref_slice %arg3[%add3A_8, %dma_start3A_17] : memref<8192x8xi32, #tpu.memory_space<hbm>> -> memref<256x8xi32, #tpu.memory_space<hbm>>
      tpu.enqueue_dma source(%arg6 : memref<256x8xi32, #tpu.memory_space<vmem>>) target(%dma_start3A_18 : memref<256x8xi32, #tpu.memory_space<hbm>>) target_semaphore(%run_scoped3A : memref<!tpu.dma_semaphore, #tpu.memory_space<semaphore_mem>>)
      %dma_wait3A = arith.constant 0 : i32
      %dma_wait3A_19 = tpu.memref_slice %arg3[%add3A_8, %dma_wait3A] : memref<8192x8xi32, #tpu.memory_space<hbm>> -> memref<256x8xi32, #tpu.memory_space<hbm>>
      %dma_wait3A_20 = arith.constant 0 : i32
      %dma_wait3A_21 = tpu.memref_slice %arg3[%add3A_8, %dma_wait3A_20] : memref<8192x8xi32, #tpu.memory_space<hbm>> -> memref<256x8xi32, #tpu.memory_space<hbm>>
      tpu.wait_dma2 semaphore(%run_scoped3A : memref<!tpu.dma_semaphore, #tpu.memory_space<semaphore_mem>>) src(%arg6 : memref<256x8xi32, #tpu.memory_space<vmem>>) dst(%dma_wait3A_21 : memref<256x8xi32, #tpu.memory_space<hbm>>)
      tpu.yield
    }) : () -> ()
    "tpu.region"() ({
      %run_scoped3A = tpu.sem_alloc : memref<!tpu.dma_semaphore, #tpu.memory_space<semaphore_mem>>
      %dma_start3A = arith.constant 0 : i32
      %dma_start3A_16 = tpu.memref_slice %arg4[%add3A_8, %dma_start3A] : memref<8192x64xf32, #tpu.memory_space<hbm>> -> memref<256x64xf32, #tpu.memory_space<hbm>>
      %dma_start3A_17 = arith.constant 0 : i32
      %dma_start3A_18 = tpu.memref_slice %arg4[%add3A_8, %dma_start3A_17] : memref<8192x64xf32, #tpu.memory_space<hbm>> -> memref<256x64xf32, #tpu.memory_space<hbm>>
      tpu.enqueue_dma source(%arg7 : memref<256x64xf32, #tpu.memory_space<vmem>>) target(%dma_start3A_18 : memref<256x64xf32, #tpu.memory_space<hbm>>) target_semaphore(%run_scoped3A : memref<!tpu.dma_semaphore, #tpu.memory_space<semaphore_mem>>)
      %dma_wait3A = arith.constant 0 : i32
      %dma_wait3A_19 = tpu.memref_slice %arg4[%add3A_8, %dma_wait3A] : memref<8192x64xf32, #tpu.memory_space<hbm>> -> memref<256x64xf32, #tpu.memory_space<hbm>>
      %dma_wait3A_20 = arith.constant 0 : i32
      %dma_wait3A_21 = tpu.memref_slice %arg4[%add3A_8, %dma_wait3A_20] : memref<8192x64xf32, #tpu.memory_space<hbm>> -> memref<256x64xf32, #tpu.memory_space<hbm>>
      tpu.wait_dma2 semaphore(%run_scoped3A : memref<!tpu.dma_semaphore, #tpu.memory_space<semaphore_mem>>) src(%arg7 : memref<256x64xf32, #tpu.memory_space<vmem>>) dst(%dma_wait3A_21 : memref<256x64xf32, #tpu.memory_space<hbm>>)
      tpu.yield
    }) : () -> ()
    %scan3A_15 = arith.constant 1 : i32
    return
  }
}

module attributes {stable_mosaic.version = 14 : i64} {
  func.func @_matmul_block(%arg0: i32, %arg1: memref<1024x4096xf32, #tpu.memory_space<vmem>>, %arg2: memref<64x4096xf32, #tpu.memory_space<vmem>>, %arg3: memref<1x64xf32, #tpu.memory_space<vmem>>, %arg4: memref<1024x64xf32, #tpu.memory_space<vmem>>) attributes {dimension_semantics = [#tpu.dimension_semantics<arbitrary>], iteration_bounds = array<i64: 8>, scalar_prefetch = 0 : i64, scratch_operands = 0 : i64, tpu.core_type = #tpu.core_type<tc>, window_params = [{transform_indices = @transform_0, window_bounds = array<i64: 1024, 4096>}, {pipeline_mode = #tpu.pipeline_mode<synchronous>, transform_indices = @transform_1, window_bounds = array<i64: 64, 4096>}, {pipeline_mode = #tpu.pipeline_mode<synchronous>, transform_indices = @transform_2, window_bounds = array<i64: 1, 64>}, {transform_indices = @transform_3, window_bounds = array<i64: 1024, 64>}]} {
    %get3A = arith.constant 0 : index
    %get3A_0 = arith.constant 0 : index
    %get3A_1 = vector.load %arg1[%get3A, %get3A_0] : memref<1024x4096xf32, #tpu.memory_space<vmem>>, vector<1024x4096xf32>
    %get3A_2 = arith.constant 0 : index
    %get3A_3 = arith.constant 0 : index
    %get3A_4 = vector.load %arg2[%get3A_2, %get3A_3] : memref<64x4096xf32, #tpu.memory_space<vmem>>, vector<64x4096xf32>
    %dot_general3A = arith.constant dense<0.000000e+00> : vector<1024x64xf32>
    %dot_general3A_5 = tpu.matmul %get3A_1, %get3A_4, %dot_general3A {dimension_numbers = #tpu.dot_dimension_numbers<[1], [1], [0], [0], [0, 0, 1, 0], [], []>, transpose_lhs_hint = false} : vector<1024x4096xf32>, vector<64x4096xf32>, vector<1024x64xf32> -> vector<1024x64xf32>
    %get3A_6 = arith.constant 0 : index
    %get3A_7 = arith.constant 0 : index
    %get3A_8 = vector.load %arg3[%get3A_6, %get3A_7] : memref<1x64xf32, #tpu.memory_space<vmem>>, vector<1x64xf32>
    %add3A = vector.broadcast %get3A_8 : vector<1x64xf32> to vector<1024x64xf32>
    %add3A_9 = arith.addf %dot_general3A_5, %add3A : vector<1024x64xf32>
    %swap3A = arith.constant 0 : index
    %swap3A_10 = arith.constant 0 : index
    %swap3A_11 = vector.load %arg4[%swap3A, %swap3A_10] : memref<1024x64xf32, #tpu.memory_space<vmem>>, vector<1024x64xf32>
    tpu.vector_store %arg4[%swap3A, %swap3A_10], %add3A_9 {strides = array<i32>} : memref<1024x64xf32, #tpu.memory_space<vmem>>, vector<1024x64xf32>,
    return
  }
  func.func @transform_0(%arg0: i32) -> (i32, i32) {
    %c0_i32 = arith.constant 0 : i32
    %c0_i32_0 = arith.constant 0 : i32
    return %arg0, %c0_i32 : i32, i32
  }
  func.func @transform_1(%arg0: i32) -> (i32, i32) {
    %c0_i32 = arith.constant 0 : i32
    %c0_i32_0 = arith.constant 0 : i32
    %c0_i32_1 = arith.constant 0 : i32
    return %c0_i32, %c0_i32_0 : i32, i32
  }
  func.func @transform_2(%arg0: i32) -> (i32, i32) {
    %c0_i32 = arith.constant 0 : i32
    %c0_i32_0 = arith.constant 0 : i32
    %c0_i32_1 = arith.constant 0 : i32
    return %c0_i32, %c0_i32_0 : i32, i32
  }
  func.func @transform_3(%arg0: i32) -> (i32, i32) {
    %c0_i32 = arith.constant 0 : i32
    %c0_i32_0 = arith.constant 0 : i32
    return %arg0, %c0_i32 : i32, i32
  }
}

</mosaic_0001>

<sc_bundles>
// kernel: kernel.10.cloned.1.call-start
scs
__scs_entry_jumppad:
0x0: {  	(pc) =	sbr.rel $0x88, $3  }
0x1: {  	(tag) =	ssettag $0x0;
	lr =	simm.s32 $0x1  }
0x2: {  	[smem:$0x3F9E] =	sst lr;
	_ =	strace $0xD0000000  }
0x3: {  	_ = 	snop  }
0x4: {  	_ = 	snop  }
0x5: {  	_ = 	snop  }
0x6: {  	_ = 	snop  }
0x7: {  	_ = 	snop  }
__scs_overlays_trampoline_lowered:
0x8: {  	[smem:$0x3FAD] =	sst s0  }
0x9: {  	[smem:$0x3FAE] =	sst s1  }
0xa: {  	[smem:$0x3FAF] =	sst s2  }
0xb: {  	[smem:$0x3FB0] =	sst s3  }
0xc: {  	[smem:$0x3FB1] =	sst s4  }
0xd: {  	[smem:$0x3FB2] =	sst s5  }
0xe: {  	[smem:$0x3FB3] =	sst s6  }
0xf: {  	[smem:$0x3FB4] =	sst s7  }
0x10: {  	[smem:$0x3FB5] =	sst s8  }
0x11: {  	[smem:$0x3FB6] =	sst s9;
	s0 =	simm.s32 @!p0 $0x0  }
0x12: {  	s1 =	sld [smem:$0x3F9C];
	s0 =	simm.s32 @p0 $0x1  }
0x13: {  	[smem:$0x3FB7] =	sst s0;
	s0 =	simm.s32 @!p1 $0x0  }
0x14: {  	s2 =	sld [smem:$0x3F9B];
	s0 =	simm.s32 @p1 $0x1  }
0x15: {  	[smem:$0x3FB8] =	sst s0;
	s0 =	simm.s32 @!p2 $0x0  }
0x16: {  	s3 =	sld [smem:$0x3FDB];
	s0 =	simm.s32 @p2 $0x1  }
0x17: {  	s4 =	simm.s32 $0x1BF5;
	[smem:$0x3FBA] =	sst s0  }
0x18: {  	s0 =	sld [smem:$0x3F9D];
	_ =	swait.ge [sflag:s4], $0x0  }
0x19: {  	s7 =	sld [smem:$0x3F9E]  }
0x1a: {  	s8 =	sadd.s32 $0xFFFFE003, lr  }
0x1b: {  	s9 =	sadd.s32 $0xFFFFFEF7, lr;
	s5 =	simm.s32 $0xFFFFFFFF;
	p2 =	slt.u32 s8, $0xFFFFF086  }
0x1c: {  	p1 =	slt.u32 s9, $0xF7A;
	s5 =	simm.s32 @!p2 $0x0  }
0x1d: {  	s5 =	simm.s32 @p1 $0x1;
	p0 =	seq.s32 s7, s2  }
0x1e: {  	s7 =	smul.u32 @!p0 $0xF7A, s2;
	p2 =	seq.s32 @!p0 s5, $0x0  }
0x1f: {  	s9 =	smul.u32 $0xF7A, s1;
	s8 =	simm.s32 @!p0 $0x1BF5;
	p2 =	por !p2, p0  }
0x20: {  	[sflag:s8] =	ssyncset.s32 @!p0 $0xFFFFF086;
	s6 =	sadd.s32 @!p0 s3, s7;
	s7 =	simm.s32 @!p0 $0x108  }
0x21: {  	s3 =	sadd.s32 s3, s9;
	s6 =	sadd.s32 @!p0 $0x88, s6;
	s7 =	simm.s32 @p2 $0x1082  }
0x22: {  	[simem:s7], [sflag:s8] =	dma.local @!p0 [hbm:s6], $0xF7A  }
0x23: {  	s9 =	sor.u32 $0xD0000000, s2;
	s6 =	simm.s32 $0x108;
	_ =	swait.ge @!p0 [sflag:s8], $0x0  }
0x24: {  	s3 =	sadd.s32 $0x88, s3;
	s6 =	simm.s32 @!p1 $0x1082;
	[sflag:s4] =	ssyncset.s32 $0xFFFFF086  }
0x25: {  	[simem:s6], [sflag:s4] =	dma.local [hbm:s3], $0xF7A  }
0x26: {  	[smem:$0x3F9E] =	sst s1;
	(tag) =	ssettag s2;
	_ =	strace s9  }
0x27: {  	s1 =	sld [smem:$0x3FAE]  }
0x28: {  	s2 =	sld [smem:$0x3FAF]  }
0x29: {  	s4 =	sld [smem:$0x3FB1]  }
0x2a: {  	p0 =	seq.s32 s5, $0x0;
	s5 =	sld [smem:$0x3FB2]  }
0x2b: {  	s6 =	sld [smem:$0x3FB3]  }
0x2c: {  	s7 =	sld [smem:$0x3FB4]  }
0x2d: {  	s3 =	simm.s32 $0x108;
	s8 =	sld [smem:$0x3FB5]  }
0x2e: {  	s3 =	simm.s32 @!p0 $0x1082;
	s9 =	sld [smem:$0x3FB6]  }
0x2f: {  	lr =	sadd.s32 s0, s3;
	s0 =	sld [smem:$0x3FAD]  }
0x30: {  	s3 =	sld [smem:$0x3FB0]  }
0x31: {  	[smem:$0x3FB9] =	sst s10  }
0x32: {  	s10 =	sld [smem:$0x3FB7];
	_ =	sdelay $0x3  }
0x33: {  	p0 =	seq.s32 s10, $0x1;
	s10 =	sld [smem:$0x3FB9];
	_ =	sdelay $0x3  }
0x34: {  	[smem:$0x3FB9] =	sst s10  }
0x35: {  	s10 =	sld [smem:$0x3FB8];
	_ =	sdelay $0x3  }
0x36: {  	p1 =	seq.s32 s10, $0x1;
	s10 =	sld [smem:$0x3FB9];
	_ =	sdelay $0x3  }
0x37: {  	[smem:$0x3FB9] =	sst s10  }
0x38: {  	s10 =	sld [smem:$0x3FBA]  }
0x39: {  	_ = 	snop;
	(pc) =	sbr.ind lr, $3  }
0x3a: {  	_ = 	snop  }
0x3b: {  	_ = 	snop  }
0x3c: {  	p2 =	seq.s32 s10, $0x1;
	s10 =	sld [smem:$0x3FB9]  }
0x3d: {  	_ =	shalt  }
0x3e: {  	_ =	shalt  }
0x3f: {  	_ =	shalt  }
0x40: {  	_ =	shalt  }
0x41: {  	_ =	shalt  }
0x42: {  	_ =	shalt  }
0x43: {  	_ =	shalt  }
0x44: {  	_ =	shalt  }
0x45: {  	_ =	shalt  }
0x46: {  	_ =	shalt  }
0x47: {  	_ =	shalt  }
0x48: {  	_ =	shalt  }
0x49: {  	_ =	shalt  }
0x4a: {  	_ =	shalt  }
0x4b: {  	_ =	shalt  }
0x4c: {  	_ =	shalt  }
0x4d: {  	_ =	shalt  }
0x4e: {  	_ =	shalt  }
0x4f: {  	_ =	shalt  }
0x50: {  	_ =	shalt  }
0x51: {  	_ =	shalt  }
0x52: {  	_ =	shalt  }
0x53: {  	_ =	shalt  }
0x54: {  	_ =	shalt  }
0x55: {  	_ =	shalt  }
0x56: {  	_ =	shalt  }
0x57: {  	_ =	shalt  }
0x58: {  	_ =	shalt  }
0x59: {  	_ =	shalt  }
0x5a: {  	_ =	shalt  }
0x5b: {  	_ =	shalt  }
0x5c: {  	_ =	shalt  }
0x5d: {  	_ =	shalt  }
0x5e: {  	_ =	shalt  }
0x5f: {  	_ =	shalt  }
0x60: {  	_ =	shalt  }
0x61: {  	_ =	shalt  }
0x62: {  	_ =	shalt  }
0x63: {  	_ =	shalt  }
0x64: {  	_ =	shalt  }
0x65: {  	_ =	shalt  }
0x66: {  	_ =	shalt  }
0x67: {  	_ =	shalt  }
0x68: {  	_ =	shalt  }
0x69: {  	_ =	shalt  }
0x6a: {  	_ =	shalt  }
0x6b: {  	_ =	shalt  }
0x6c: {  	_ =	shalt  }
0x6d: {  	_ =	shalt  }
0x6e: {  	_ =	shalt  }
0x6f: {  	_ =	shalt  }
0x70: {  	_ =	shalt  }
0x71: {  	_ =	shalt  }
0x72: {  	_ =	shalt  }
0x73: {  	_ =	shalt  }
0x74: {  	_ =	shalt  }
0x75: {  	_ =	shalt  }
0x76: {  	_ =	shalt  }
0x77: {  	_ =	shalt  }
0x78: {  	_ =	shalt  }
0x79: {  	_ =	shalt  }
0x7a: {  	_ =	shalt  }
0x7b: {  	_ =	shalt  }
0x7c: {  	_ =	shalt  }
0x7d: {  	_ =	shalt  }
0x7e: {  	_ =	shalt  }
0x7f: {  	_ =	shalt  }
0x80: {  	_ =	shalt  }
0x81: {  	_ =	shalt  }
0x82: {  	_ =	shalt  }
0x83: {  	_ =	shalt  }
0x84: {  	_ =	shalt  }
0x85: {  	_ =	shalt  }
0x86: {  	_ =	shalt  }
0x87: {  	_ =	shalt  }
.Lfunc_end0:
.L_simem_size_0:
called_computation_lowered:
.L_overlay_start_0:
0x88: {  	s2 =	sld [smem:$0x3FD9]  }
0x89: {  	s3 =	sld [smem:$0x3FFE];
	_ =	sdelay $0x1  }
0x8a: {  	s1 =	srdreg.scid  }
0x8b: {  	s0 =	sand.u32 $0x1, s1  }
0x8c: {  	s17 =	sshll.u32 s0, $0xA;
	s2 =	sadd.s32 s3, s2  }
0x8d: {  	s2 =	sadd.s32 s2, s17  }
0x8e: {  	[smem:$0x3FC5] =	sst s2  }
0x8f: {  	_ = 	snop  }
0x90: {  	(tm) =	ssettm $0x1  }
0x91: {  	s18 =	sld [smem:$0x3FFB];
	_ =	sdelay $0x3  }
0x92: {  	_ =	strace s18  }
0x93: {  	s2 =	sld [smem:$0x3FFC];
	_ =	sdelay $0x3  }
0x94: {  	_ =	strace s2  }
0x95: {  	s2 =	sld [smem:$0x3FFD];
	_ =	sdelay $0x3  }
0x96: {  	_ =	strace s2  }
0x97: {  	_ =	strace $0x8FFFFFFF  }
0x98: {  	s19 =	sld [smem:$0x3FDB];
	_ =	sdelay $0x1  }
0x99: {  	s20 =	simm.s32 $_scs_section_size  }
0x9a: {  	s4 =	simm.s32 $_size__tile_overlayer_lowered;
	s5 =	simm.s32 $_tile_overlayer_lowered  }
0x9b: {  	s6 =	simm.s32 $0x1BFF;
	s21 =	sshll.u32 s5, $0x1;
	s3 =	sadd.s32 s20, s19  }
0x9c: {  	s22 =	simm.s32 $0x0;
	s4 =	sshll.u32 s4, $0x1;
	s5 =	sadd.s32 s21, s3  }
0x9d: {  	[timem:s22], [sflag:s6] =	dma.local [hbm:s5], s4  }
0x9e: {  	_ =	swait.ge [sflag:s6], s4  }
0x9f: {  	s4 =	ssub.s32 $0x0, s4;
	[sflag:s6] =	ssyncset.done $0x0  }
0xa0: {  	[sflag:s6] =	ssyncadd.s32 s4;
	_ =	sdelay $0x1  }
0xa1: {  	s23 =	simm.s32 $0x1B8B  }
0xa2: {  	_ =	swait.ge [sflag:s23], $0x1  }
0xa3: {  	[sflag:s23] =	ssyncset.done $0x0  }
0xa4: {  	[sflag:s23] =	ssyncadd.s32 $0xFFFFFFFF  }
0xa5: {  	s4 =	sld [smem:$0x0]  }
0xa6: {  	s5 =	sand.u32 $0xFFFFFFFE, s1  }
0xa7: {  	p0 =	sne.s32 s1, s5  }
0xa8: {  	s5 =	sshll.u32 @p0 s5, $0xE  }
0xa9: {  	s5 =	sadd.s32 @p0 $0x11B8D, s5;
	s6 =	sshll.u32 @p0 s4, $0x11  }
0xaa: {  	s5 =	sor.u32 @p0 s6, s5  }
0xab: {  	[sflag:s5] =	ssyncadd.remote.s32 @p0 $0x1;
	_ =	sdelay $0x1  }
0xac: {  	s5 =	simm.s32 @p0 $0x1B8D  }
0xad: {  	_ =	swait.eq @p0 [sflag:s5], $0x1  }
0xae: {  	[sflag:s5] =	ssyncadd.s32 @p0 $0xFFFFFFFF  }
0xaf: {  	s6 =	sshll.u32 @!p0 s1, $0xE  }
0xb0: {  	s6 =	sor.u32 @!p0 $0x4000, s6;
	s5 =	simm.s32 @!p0 $0x1B8D  }
0xb1: {  	s4 =	sshll.u32 @!p0 s4, $0x11;
	s6 =	sadd.s32 @!p0 $0x11B8D, s6;
	_ =	swait.eq @!p0 [sflag:s5], $0x1  }
0xb2: {  	s4 =	sor.u32 @!p0 s4, s6;
	[sflag:s5] =	ssyncadd.s32 @!p0 $0xFFFFFFFF  }
0xb3: {  	s25 =	simm.s32 $0x1B8E;
	s24 =	sld [smem:$0x3FFE];
	[sflag:s4] =	ssyncadd.remote.s32 @!p0 $0x1  }
0xb4: {  	s26 =	simm.s32 $execute0_lowered;
	[smem:$0x3FD2] =	sst s25  }
0xb5: {  	s5 =	sshll.u32 s26, $0x1;
	_ =	strace $0x8000004F;
	[dreg:$0x1] =	wrdreg $0xFFFFFFFF  }
0xb6: {  	s28 =	simm.s32 $_size_execute0_lowered;
	s3 =	sadd.s32 s3, s5;
	[dreg:$0x0] =	wrdreg $0x0  }
0xb7: {  	s5 =	sshll.u32 s28, $0x1;
	[dreg:$0x2] =	wrdreg s3  }
0xb8: {  	[dreg:$0x3] =	wrdreg s5  }
0xb9: {  	[dreg:$0x4] =	wrdreg $0xC0  }
0xba: {  	_ =	task [dreg:s22], $0x5FFFF  }
0xbb: {  	[dreg:$0x1] =	wrdreg $0xFFFFFFFF  }
0xbc: {  	[dreg:$0x0] =	wrdreg $0x60  }
0xbd: {  	[dreg:$0x2] =	wrdreg s24  }
0xbe: {  	[dreg:$0x3] =	wrdreg $0x9  }
0xbf: {  	_ =	task.clear_ibuf [dreg:s22], $0x4FFFF;
	_ =	strace $0x9000004F  }
0xc0: {  	s29 =	simm.s32 $0x9;
	_ =	strace $0x80000051  }
0xc1: {  	_ =	swait.ge [sflag:s29], $0x1  }
0xc2: {  	[sflag:s29] =	ssyncadd.s32 $0xFFFFFFFF  }
0xc3: {  	_ =	strace $0x90000051  }
0xc4: {  	_ =	sfence  }
0xc5: {  	s30 =	sld [smem:$0x0];
	_ =	sdelay $0x2  }
0xc6: {  	s31 =	sshll.u32 s1, $0xD;
	s1 =	sshrl.u32 s1, $0x2  }
0xc7: {  	s4 =	sand.u32 $0x4000, s31;
	s1 =	sadd.s32 s1, s30  }
0xc8: {  	s0 =	sor.u32 s4, s0;
	s1 =	sshll.u32 s1, $0x11  }
0xc9: {  	s0 =	sor.u32 s1, s0  }
0xca: {  	s0 =	sadd.s32 $0x8F2B, s0  }
0xcb: {  	[sflag:s0] =	ssyncadd.remote.s32 $0x1  }
0xcc: {  	_ =	sfence.sel $0xFFFF  }
0xcd: {  	[dreg:$0x0] =	wrdreg $0xFFFFFFFF;
	(pc) =	sbr.abs _section_cstart, $3  }
0xce: {  	[dreg:$0x1] =	wrdreg $0xFFFFFFFF  }
0xcf: {  	_ =	task.clear_ibuf [dreg:s22], $0x2FFFF;
	_ =	strace $0x9FFFFFFF  }
0xd0: {  	(tm) =	ssettm $0x7FFFFFFF  }
0xd1: {  	_ =	shalt  }
tec
execute0_lowered:
.L_overlay_start_1:
0x0: {  	(tag) =	ssettag $0x1  }
0x1: {  	s3 =	rddreg [dreg:$0x0];
	s2 =	srdreg.scid  }
0x2: {  	s0 =	rddreg [dreg:$0x1];
	s1 =	stileid.u32;
	s7 =	simm.s32 $0x1  }
0x3: {  	s8 =	simm.s32 $0x10000;
	s9 =	simm.s32 $0x8000;
	s4 =	sand.u32 $0x1, s2  }
0x4: {  	s10 =	simm.s32 $0x0;
	s5 =	sshll.u32 s1, $0xD;
	s6 =	sshll.u32 s4, $0xC  }
0x5: {  	v0 =	vlaneseq.u32;
	s2 =	simm.s32 $0x0;
	s4 =	ssub.s32 $0x2, s4;
	s5 =	sor.u32 s6, s5  }
0x6: {  	v4 =	vmul.u32 $0xFFFFFFFF, v0;
	[smem:$0x7FF] =	sst s2;
	s30 =	sshrl.u32 s4, $0x1;
	s5 =	sadd.s32 s5, s3  }
0x7: {  	vm0 =	vmmov $0xff;
	v5 =	vimm.f32 $0.0e+00;
	v1 =	vor.u32 $0x10, v0;
	_ =	strace $0x80000050;
	s31 =	ssub.s32 s4, s30;
	s3 =	sadd.s32 $0x103000, s5  }
0x8: {  	v2 =	vor.u32 $0x20, v0;
	v3 =	vor.u32 $0x30, v0;
	v4 =	vadd.s32 $0xF, v4;
	s4 =	sadd.s32 $0x123000, s5;
	s5 =	sadd.s32 $0x143000, s5;
	s6 =	smax.u32 s31, $0x1  }
.LBB2_1:
0x9: {  	[tilespmem:s2], [sflag:$0x1] =	stream.linear.gather [hbm4b:s3+s2], $0x8000, $0x38;
	[tilespmem:$0x18000] =	vst v63  }
0xa: {  	_ =	swait.ge [sflag:s7], $0x8000  }
0xb: {  	[sflag:s7] =	ssyncset.done $0x0  }
0xc: {  	s13 =	simm.s32 $0x20;
	[sflag:s7] =	ssyncadd.s32 $0xFFFF8000  }
0xd: {  	v7 =	vld [tilespmem:s13+$0x10]  }
0xe: {  	v6 =	vld [tilespmem:s13+$0x0]  }
0xf: {  	s11 =	simm.s32 $0x10020;
	s14 =	simm.s32 $0x1;
	s12 =	simm.s32 $0x0;
	v8 =	vld [tilespmem:s13+$0xFFFFFFF0]  }
.LBB2_2:
0x10: {  	p0 =	sne.s32 s14, $0xFF;
	v9 =	vld [tilespmem:s13+$0xFFFFFFE0];
	[tilespmem:s11+$0xFFFFFFF0] =	vst v5;
	_ =	sdelay $0x2  }
0x11: {  	(xrf1) =	vsort.dscd.msk.f32 $0xffff, v7, v3  }
0x12: {  	(xrf1) =	vsort.dscd.msk.f32 $0xffff, v8, v1  }
0x13: {  	(xrf1) =	vsort.dscd.msk.f32 $0xffff, v6, v2  }
0x14: {  	(xrf1) =	vsort.dscd.msk.f32 $0xffff, v9, v0;
	_ =	sdelay $0xa  }
0x15: {  	v6, v7, _ =	vpop (xrf1)  }
0x16: {  	v6 =	vperm.xlane v6, v4;
	v7 =	vperm.xlane v7, v4;
	v8, v9, _ =	vpop (xrf1)  }
0x17: {  	v8 =	vperm.xlane v8, v4;
	v10, v11, _ =	vpop (xrf1)  }
0x18: {  	v9 =	vperm.xlane v9, v4;
	v6 =	vsel vm0, v10, v6;
	v7 =	vsel vm0, v11, v7;
	v10, v11, _ =	vpop (xrf1)  }
0x19: {  	(xrf1) =	vsort.dscd.msk.f32 $0xffff, v6, v7  }
0x1a: {  	v6 =	vsel vm0, v10, v8;
	v7 =	vsel vm0, v11, v9  }
0x1b: {  	(xrf1) =	vsort.dscd.msk.f32 $0xffff, v6, v7;
	_ =	sdelay $0xb  }
0x1c: {  	v6, v7, _ =	vpop (xrf1)  }
0x1d: {  	v6 =	vperm.xlane v6, v4;
	v7 =	vperm.xlane v7, v4  }
0x1e: {  	v8, v9, _ =	vpop (xrf1)  }
0x1f: {  	v6 =	vsel vm0, v8, v6;
	v7 =	vsel vm0, v9, v7  }
0x20: {  	(xrf1) =	vsort.dscd.msk.f32 $0xffff, v6, v7;
	_ =	sdelay $0xd  }
0x21: {  	v6, v7, _ =	vpop (xrf1)  }
0x22: {  	v8 =	vand.u32 $0xFFFFFF80, v7;
	v9 =	vand.u32 $0x7F, v7;
	(xrf0) =	vmax.scan.msk.f32 $0xffff, v6;
	_ =	sdelay $0x5  }
0x23: {  	v10, _, _ =	vpop (xrf0)  }
0x24: {  	v10 =	vbroadcast v10, $0xF;
	_ =	sdelay $0x1  }
0x25: {  	v6 =	vsub.f32 v6, v10;
	_ =	sdelay $0x1  }
0x26: {  	v6 =	vmul.f32 $1.442695020e+00, v6;
	_ =	sdelay $0x1  }
0x27: {  	(erf) = vpow2.f32 v6;
	_ =	sdelay $0x8  }
0x28: {  	v6 =	vpop (erf)  }
0x29: {  	v6 =	vnsel vm0, $0x0, v6  }
0x2a: {  	(xrf2) =	vadd.scan.msk.f32 $0xffff, v6;
	_ =	sdelay $0x9  }
0x2b: {  	v10, _, _ =	vpop (xrf2)  }
0x2c: {  	v10 =	vbroadcast v10, $0xF;
	_ =	sdelay $0x1  }
0x2d: {  	(erf) = vrcp.f32 v10;
	_ =	sdelay $0x4  }
0x2e: {  	s15 =	sshll.u32 s12, $0x7;
	s12 =	smov.u32 s14  }
0x2f: {  	v8 =	vadd.s32 s15, v8  }
0x30: {  	v8 =	vor.u32 v9, v8  }
0x31: {  	v9 =	vor.u32 s15, v0  }
0x32: {  	[tilespmem:s11+$0xFFFFFFE0] =	vst v5;
	v10 =	vpop (erf)  }
0x33: {  	v6 =	vmul.f32 v10, v6;
	[tilespmem:s11+$0x0] =	vst v5  }
0x34: {  	[tilespmem:s11+$0x10] =	vst v5  }
.Ltmp0:
0x35: {  	[tilespmem:v8+s8+$0x0] =	vst.idx.msk $0xff, v6;
	(pc) =	sbr.rel @p0 .LBB2_2-.Ltmp0, $4  }
0x36: {  	s13 =	sadd.s32 $0x80, s13;
	[tilespmem:v9+s9+$0x0] =	vst.idx.msk $0xff, v7  }
0x37: {  	v7 =	vld [tilespmem:s13+$0x10]  }
0x38: {  	v6 =	vld [tilespmem:s13+$0x0]  }
0x39: {  	s14 =	sadd.s32 $0x1, s14;
	s11 =	sadd.s32 $0x80, s11;
	v8 =	vld [tilespmem:s13+$0xFFFFFFF0]  }
0x3a: {  	_ =	sdelay $0x1  }
0x3b: {  	v9 =	vld [tilespmem:s13+$0xFFFFFFE0]  }
0x3c: {  	(xrf1) =	vsort.dscd.msk.f32 $0xffff, v7, v3  }
0x3d: {  	(xrf1) =	vsort.dscd.msk.f32 $0xffff, v8, v1  }
0x3e: {  	(xrf1) =	vsort.dscd.msk.f32 $0xffff, v6, v2;
	_ =	sdelay $0x1  }
0x3f: {  	(xrf1) =	vsort.dscd.msk.f32 $0xffff, v9, v0;
	_ =	sdelay $0x9  }
0x40: {  	v6, v7, _ =	vpop (xrf1)  }
0x41: {  	v6 =	vperm.xlane v6, v4;
	v7 =	vperm.xlane v7, v4;
	v8, v53, _ =	vpop (xrf1)  }
0x42: {  	v8 =	vperm.xlane v8, v4;
	v10, v11, _ =	vpop (xrf1)  }
0x43: {  	v9 =	vperm.xlane v53, v4;
	v6 =	vsel vm0, v10, v6;
	v7 =	vsel vm0, v11, v7  }
0x44: {  	v54, v55, _ =	vpop (xrf1);
	(xrf1) =	vsort.dscd.msk.f32 $0xffff, v6, v7  }
0x45: {  	v6 =	vsel vm0, v54, v8;
	v7 =	vsel vm0, v55, v9  }
0x46: {  	(xrf1) =	vsort.dscd.msk.f32 $0xffff, v6, v7;
	_ =	sdelay $0xb  }
0x47: {  	v6, v7, _ =	vpop (xrf1)  }
0x48: {  	v6 =	vperm.xlane v6, v4;
	v7 =	vperm.xlane v7, v4  }
0x49: {  	v56, v57, _ =	vpop (xrf1)  }
0x4a: {  	v6 =	vsel vm0, v56, v6;
	v7 =	vsel vm0, v57, v7  }
0x4b: {  	(xrf1) =	vsort.dscd.msk.f32 $0xffff, v6, v7;
	_ =	sdelay $0xd  }
0x4c: {  	v6, v7, _ =	vpop (xrf1)  }
0x4d: {  	(xrf0) =	vmax.scan.msk.f32 $0xffff, v6;
	_ =	sdelay $0x5  }
0x4e: {  	v58, _, _ =	vpop (xrf0)  }
0x4f: {  	v8 =	vbroadcast v58, $0xF;
	_ =	sdelay $0x1  }
0x50: {  	v6 =	vsub.f32 v6, v8;
	_ =	sdelay $0x1  }
0x51: {  	v6 =	vmul.f32 $1.442695020e+00, v6;
	_ =	sdelay $0x1  }
0x52: {  	(erf) = vpow2.f32 v6;
	_ =	sdelay $0x8  }
0x53: {  	v6 =	vpop (erf)  }
0x54: {  	v6 =	vnsel vm0, $0x0, v6  }
0x55: {  	(xrf2) =	vadd.scan.msk.f32 $0xffff, v6;
	_ =	sdelay $0x9  }
0x56: {  	v59, _, _ =	vpop (xrf2)  }
0x57: {  	v8 =	vbroadcast v59, $0xF;
	_ =	sdelay $0x1  }
0x58: {  	(erf) = vrcp.f32 v8;
	_ =	sdelay $0x4  }
0x59: {  	s12 =	sshll.u32 s12, $0x7;
	v60 =	vand.u32 $0xFFFFFF80, v7  }
0x5a: {  	v61 =	vand.u32 $0x7F, v7;
	v8 =	vadd.s32 s12, v60  }
0x5b: {  	v8 =	vor.u32 v61, v8  }
0x5c: {  	[tilespmem:s11+$0xFFFFFFF0] =	vst v5;
	v62 =	vor.u32 s12, v0  }
0x5d: {  	[tilespmem:s11+$0xFFFFFFE0] =	vst v5;
	v63 =	vpop (erf)  }
0x5e: {  	[tilespmem:s11+$0x0] =	vst v5;
	v6 =	vmul.f32 v63, v6  }
0x5f: {  	[tilespmem:s11+$0x10] =	vst v5  }
0x60: {  	[tilespmem:v8+s8+$0x0] =	vst.idx.msk $0xff, v6  }
0x61: {  	[tilespmem:v62+s9+$0x0] =	vst.idx.msk $0xff, v7  }
0x62: {  	[hbm4b:s4+s2] =	stream.linear.scatter [tilespmem:s9], [sflag:$0x1], $0x8000, $0x38;
	[tilespmem:$0x18000] =	vst v63  }
0x63: {  	s10 =	sadd.s32 $0x1, s10;
	_ =	swait.ge [sflag:s7], $0x8000  }
0x64: {  	p0 =	sne.s32 s10, s6;
	[sflag:s7] =	ssyncset.done $0x0  }
.Ltmp1:
0x65: {  	[sflag:s7] =	ssyncadd.s32 $0xFFFF8000;
	(pc) =	sbr.rel @p0 .LBB2_1-.Ltmp1, $4  }
0x66: {  	[hbm4b:s5+s2] =	stream.linear.scatter [tilespmem:s8], [sflag:$0x1], $0x8000, $0x38;
	[tilespmem:$0x18000] =	vst v63  }
0x67: {  	_ =	swait.ge [sflag:s7], $0x8000  }
0x68: {  	[sflag:s7] =	ssyncset.done $0x0  }
0x69: {  	[sflag:s7] =	ssyncadd.s32 $0xFFFF8000  }
0x6a: {  	_ =	sfence.sel $0x180000  }
0x6b: {  	[bflag:$0x0] =	sbarrier.arrive $0xFFFF  }
0x6c: {  	p0 =	sne.s32 s1, $0x0;
	_ =	strace $0x90000050  }
0x6d: {  	s0 =	sadd.s32 @!p0 $0x100000, s0;
	[bflag:$0x2] =	sbarrier.arrive $0xFFFF  }
0x6e: {  	[sflag:s0] =	ssyncadd.tile.s32 @!p0 $0x1;
	_ =	shalt  }
.Lfunc_end2:
_tile_overlayer_lowered:
.L_overlay_start_2:
0x6f: {  	(tag) =	ssettag $0x2  }
0x70: {  	s0 =	rddreg [dreg:$0x0];
	s2 =	stileid.u32  }
0x71: {  	s1 =	rddreg [dreg:$0x1];
	p0 =	sne.s32 s2, $0x0  }
0x72: {  	s3 =	rddreg [dreg:$0x2];
	[bflag:$0x3] =	sbarrier.arrive $0xFFFF;
	s2 =	simm.s32 @!p0 $0x1C01  }
0x73: {  	[timem:s3], [sflag:s2] =	dma.local @!p0 [hbm:s0], s1  }
0x74: {  	s0 =	simm.s32 @!p0 $0x1  }
0x75: {  	_ =	swait.ge @!p0 [sflag:s0], s1  }
0x76: {  	s1 =	ssub.s32 @!p0 $0x0, s1;
	[sflag:s0] =	ssyncset.done @!p0 $0x0  }
0x77: {  	[sflag:s0] =	ssyncadd.s32 @!p0 s1  }
0x78: {  	[bflag:$0x3] =	sbarrier.arrive $0xFFFF  }
0x79: {  	_ =	shalt  }

// kernel: kernel.13.cloned.1.call-start
scs
__scs_entry_jumppad:
0x0: {  	(pc) =	sbr.rel $0x88, $3  }
0x1: {  	(tag) =	ssettag $0x0;
	lr =	simm.s32 $0x1  }
0x2: {  	[smem:$0x3F9E] =	sst lr;
	_ =	strace $0xD0000000  }
0x3: {  	_ = 	snop  }
0x4: {  	_ = 	snop  }
0x5: {  	_ = 	snop  }
0x6: {  	_ = 	snop  }
0x7: {  	_ = 	snop  }
__scs_overlays_trampoline_lowered:
0x8: {  	[smem:$0x3FAD] =	sst s0  }
0x9: {  	[smem:$0x3FAE] =	sst s1  }
0xa: {  	[smem:$0x3FAF] =	sst s2  }
0xb: {  	[smem:$0x3FB0] =	sst s3  }
0xc: {  	[smem:$0x3FB1] =	sst s4  }
0xd: {  	[smem:$0x3FB2] =	sst s5  }
0xe: {  	[smem:$0x3FB3] =	sst s6  }
0xf: {  	[smem:$0x3FB4] =	sst s7  }
0x10: {  	[smem:$0x3FB5] =	sst s8  }
0x11: {  	[smem:$0x3FB6] =	sst s9;
	s0 =	simm.s32 @!p0 $0x0  }
0x12: {  	s1 =	sld [smem:$0x3F9C];
	s0 =	simm.s32 @p0 $0x1  }
0x13: {  	[smem:$0x3FB7] =	sst s0;
	s0 =	simm.s32 @!p1 $0x0  }
0x14: {  	s2 =	sld [smem:$0x3F9B];
	s0 =	simm.s32 @p1 $0x1  }
0x15: {  	[smem:$0x3FB8] =	sst s0;
	s0 =	simm.s32 @!p2 $0x0  }
0x16: {  	s3 =	sld [smem:$0x3FDB];
	s0 =	simm.s32 @p2 $0x1  }
0x17: {  	s4 =	simm.s32 $0x1BF5;
	[smem:$0x3FBA] =	sst s0  }
0x18: {  	s0 =	sld [smem:$0x3F9D];
	_ =	swait.ge [sflag:s4], $0x0  }
0x19: {  	s7 =	sld [smem:$0x3F9E]  }
0x1a: {  	s8 =	sadd.s32 $0xFFFFE003, lr  }
0x1b: {  	s9 =	sadd.s32 $0xFFFFFEF7, lr;
	s5 =	simm.s32 $0xFFFFFFFF;
	p2 =	slt.u32 s8, $0xFFFFF086  }
0x1c: {  	p1 =	slt.u32 s9, $0xF7A;
	s5 =	simm.s32 @!p2 $0x0  }
0x1d: {  	s5 =	simm.s32 @p1 $0x1;
	p0 =	seq.s32 s7, s2  }
0x1e: {  	s7 =	smul.u32 @!p0 $0xF7A, s2;
	p2 =	seq.s32 @!p0 s5, $0x0  }
0x1f: {  	s9 =	smul.u32 $0xF7A, s1;
	s8 =	simm.s32 @!p0 $0x1BF5;
	p2 =	por !p2, p0  }
0x20: {  	[sflag:s8] =	ssyncset.s32 @!p0 $0xFFFFF086;
	s6 =	sadd.s32 @!p0 s3, s7;
	s7 =	simm.s32 @!p0 $0x108  }
0x21: {  	s3 =	sadd.s32 s3, s9;
	s6 =	sadd.s32 @!p0 $0x88, s6;
	s7 =	simm.s32 @p2 $0x1082  }
0x22: {  	[simem:s7], [sflag:s8] =	dma.local @!p0 [hbm:s6], $0xF7A  }
0x23: {  	s9 =	sor.u32 $0xD0000000, s2;
	s6 =	simm.s32 $0x108;
	_ =	swait.ge @!p0 [sflag:s8], $0x0  }
0x24: {  	s3 =	sadd.s32 $0x88, s3;
	s6 =	simm.s32 @!p1 $0x1082;
	[sflag:s4] =	ssyncset.s32 $0xFFFFF086  }
0x25: {  	[simem:s6], [sflag:s4] =	dma.local [hbm:s3], $0xF7A  }
0x26: {  	[smem:$0x3F9E] =	sst s1;
	(tag) =	ssettag s2;
	_ =	strace s9  }
0x27: {  	s1 =	sld [smem:$0x3FAE]  }
0x28: {  	s2 =	sld [smem:$0x3FAF]  }
0x29: {  	s4 =	sld [smem:$0x3FB1]  }
0x2a: {  	p0 =	seq.s32 s5, $0x0;
	s5 =	sld [smem:$0x3FB2]  }
0x2b: {  	s6 =	sld [smem:$0x3FB3]  }
0x2c: {  	s7 =	sld [smem:$0x3FB4]  }
0x2d: {  	s3 =	simm.s32 $0x108;
	s8 =	sld [smem:$0x3FB5]  }
0x2e: {  	s3 =	simm.s32 @!p0 $0x1082;
	s9 =	sld [smem:$0x3FB6]  }
0x2f: {  	lr =	sadd.s32 s0, s3;
	s0 =	sld [smem:$0x3FAD]  }
0x30: {  	s3 =	sld [smem:$0x3FB0]  }
0x31: {  	[smem:$0x3FB9] =	sst s10  }
0x32: {  	s10 =	sld [smem:$0x3FB7];
	_ =	sdelay $0x3  }
0x33: {  	p0 =	seq.s32 s10, $0x1;
	s10 =	sld [smem:$0x3FB9];
	_ =	sdelay $0x3  }
0x34: {  	[smem:$0x3FB9] =	sst s10  }
0x35: {  	s10 =	sld [smem:$0x3FB8];
	_ =	sdelay $0x3  }
0x36: {  	p1 =	seq.s32 s10, $0x1;
	s10 =	sld [smem:$0x3FB9];
	_ =	sdelay $0x3  }
0x37: {  	[smem:$0x3FB9] =	sst s10  }
0x38: {  	s10 =	sld [smem:$0x3FBA]  }
0x39: {  	_ = 	snop;
	(pc) =	sbr.ind lr, $3  }
0x3a: {  	_ = 	snop  }
0x3b: {  	_ = 	snop  }
0x3c: {  	p2 =	seq.s32 s10, $0x1;
	s10 =	sld [smem:$0x3FB9]  }
0x3d: {  	_ =	shalt  }
0x3e: {  	_ =	shalt  }
0x3f: {  	_ =	shalt  }
0x40: {  	_ =	shalt  }
0x41: {  	_ =	shalt  }
0x42: {  	_ =	shalt  }
0x43: {  	_ =	shalt  }
0x44: {  	_ =	shalt  }
0x45: {  	_ =	shalt  }
0x46: {  	_ =	shalt  }
0x47: {  	_ =	shalt  }
0x48: {  	_ =	shalt  }
0x49: {  	_ =	shalt  }
0x4a: {  	_ =	shalt  }
0x4b: {  	_ =	shalt  }
0x4c: {  	_ =	shalt  }
0x4d: {  	_ =	shalt  }
0x4e: {  	_ =	shalt  }
0x4f: {  	_ =	shalt  }
0x50: {  	_ =	shalt  }
0x51: {  	_ =	shalt  }
0x52: {  	_ =	shalt  }
0x53: {  	_ =	shalt  }
0x54: {  	_ =	shalt  }
0x55: {  	_ =	shalt  }
0x56: {  	_ =	shalt  }
0x57: {  	_ =	shalt  }
0x58: {  	_ =	shalt  }
0x59: {  	_ =	shalt  }
0x5a: {  	_ =	shalt  }
0x5b: {  	_ =	shalt  }
0x5c: {  	_ =	shalt  }
0x5d: {  	_ =	shalt  }
0x5e: {  	_ =	shalt  }
0x5f: {  	_ =	shalt  }
0x60: {  	_ =	shalt  }
0x61: {  	_ =	shalt  }
0x62: {  	_ =	shalt  }
0x63: {  	_ =	shalt  }
0x64: {  	_ =	shalt  }
0x65: {  	_ =	shalt  }
0x66: {  	_ =	shalt  }
0x67: {  	_ =	shalt  }
0x68: {  	_ =	shalt  }
0x69: {  	_ =	shalt  }
0x6a: {  	_ =	shalt  }
0x6b: {  	_ =	shalt  }
0x6c: {  	_ =	shalt  }
0x6d: {  	_ =	shalt  }
0x6e: {  	_ =	shalt  }
0x6f: {  	_ =	shalt  }
0x70: {  	_ =	shalt  }
0x71: {  	_ =	shalt  }
0x72: {  	_ =	shalt  }
0x73: {  	_ =	shalt  }
0x74: {  	_ =	shalt  }
0x75: {  	_ =	shalt  }
0x76: {  	_ =	shalt  }
0x77: {  	_ =	shalt  }
0x78: {  	_ =	shalt  }
0x79: {  	_ =	shalt  }
0x7a: {  	_ =	shalt  }
0x7b: {  	_ =	shalt  }
0x7c: {  	_ =	shalt  }
0x7d: {  	_ =	shalt  }
0x7e: {  	_ =	shalt  }
0x7f: {  	_ =	shalt  }
0x80: {  	_ =	shalt  }
0x81: {  	_ =	shalt  }
0x82: {  	_ =	shalt  }
0x83: {  	_ =	shalt  }
0x84: {  	_ =	shalt  }
0x85: {  	_ =	shalt  }
0x86: {  	_ =	shalt  }
0x87: {  	_ =	shalt  }
.Lfunc_end0:
.L_simem_size_0:
called_computation.1_lowered:
.L_overlay_start_0:
0x88: {  	s2 =	sld [smem:$0x3FD9]  }
0x89: {  	s3 =	sld [smem:$0x3FFE];
	_ =	sdelay $0x1  }
0x8a: {  	s1 =	srdreg.scid  }
0x8b: {  	s0 =	sand.u32 $0x1, s1  }
0x8c: {  	s16 =	sshll.u32 s0, $0xA;
	s2 =	sadd.s32 s3, s2  }
0x8d: {  	s2 =	sadd.s32 s2, s16  }
0x8e: {  	[smem:$0x3FC5] =	sst s2  }
0x8f: {  	_ = 	snop  }
0x90: {  	(tm) =	ssettm $0x1  }
0x91: {  	s17 =	sld [smem:$0x3FFB];
	_ =	sdelay $0x3  }
0x92: {  	_ =	strace s17  }
0x93: {  	s2 =	sld [smem:$0x3FFC];
	_ =	sdelay $0x3  }
0x94: {  	_ =	strace s2  }
0x95: {  	s2 =	sld [smem:$0x3FFD];
	_ =	sdelay $0x3  }
0x96: {  	_ =	strace s2  }
0x97: {  	_ =	strace $0x8FFFFFFF  }
0x98: {  	s18 =	sld [smem:$0x3FDB];
	_ =	sdelay $0x1  }
0x99: {  	s19 =	simm.s32 $_scs_section_size  }
0x9a: {  	s4 =	simm.s32 $_size__tile_overlayer_lowered;
	s5 =	simm.s32 $_tile_overlayer_lowered  }
0x9b: {  	s22 =	simm.s32 $0x1BFF;
	s21 =	sshll.u32 s5, $0x1;
	s2 =	sadd.s32 s19, s18  }
0x9c: {  	s6 =	simm.s32 $0x0;
	s20 =	sshll.u32 s4, $0x1;
	s4 =	sadd.s32 s21, s2  }
0x9d: {  	[timem:s6], [sflag:s22] =	dma.local [hbm:s4], s20  }
0x9e: {  	_ =	swait.ge [sflag:s22], s20  }
0x9f: {  	s3 =	ssub.s32 $0x0, s20;
	[sflag:s22] =	ssyncset.done $0x0  }
0xa0: {  	[sflag:s22] =	ssyncadd.s32 s3;
	_ =	sdelay $0x1  }
0xa1: {  	s23 =	simm.s32 $0x1B8B  }
0xa2: {  	_ =	swait.ge [sflag:s23], $0x1  }
0xa3: {  	[sflag:s23] =	ssyncset.done $0x0  }
0xa4: {  	s25 =	simm.s32 $0x1B8E;
	s24 =	sld [smem:$0x3FFE];
	[sflag:s23] =	ssyncadd.s32 $0xFFFFFFFF  }
0xa5: {  	s26 =	simm.s32 $execute0_lowered;
	[smem:$0x3FD2] =	sst s25  }
0xa6: {  	s4 =	sshll.u32 s26, $0x1;
	_ =	strace $0x80000046;
	[dreg:$0x1] =	wrdreg $0xFFFFFFFF  }
0xa7: {  	s28 =	simm.s32 $_size_execute0_lowered;
	s2 =	sadd.s32 s2, s4;
	[dreg:$0x0] =	wrdreg $0x0  }
0xa8: {  	s4 =	sshll.u32 s28, $0x1;
	[dreg:$0x2] =	wrdreg s2  }
0xa9: {  	[dreg:$0x3] =	wrdreg s4  }
0xaa: {  	[dreg:$0x4] =	wrdreg $0xC0  }
0xab: {  	_ =	task [dreg:s6], $0x5FFFF  }
0xac: {  	[dreg:$0x1] =	wrdreg $0xFFFFFFFF  }
0xad: {  	[dreg:$0x0] =	wrdreg $0x60  }
0xae: {  	[dreg:$0x2] =	wrdreg s24  }
0xaf: {  	[dreg:$0x3] =	wrdreg $0xA  }
0xb0: {  	_ =	task.clear_ibuf [dreg:s6], $0x4FFFF;
	_ =	strace $0x90000046  }
0xb1: {  	s29 =	simm.s32 $0xA;
	_ =	strace $0x80000048  }
0xb2: {  	_ =	swait.ge [sflag:s29], $0x1  }
0xb3: {  	[sflag:s29] =	ssyncadd.s32 $0xFFFFFFFF  }
0xb4: {  	_ =	strace $0x90000048  }
0xb5: {  	_ =	sfence  }
0xb6: {  	s30 =	sld [smem:$0x0];
	_ =	sdelay $0x2  }
0xb7: {  	s31 =	sshll.u32 s1, $0xD;
	s1 =	sshrl.u32 s1, $0x2  }
0xb8: {  	s3 =	sand.u32 $0x4000, s31;
	s1 =	sadd.s32 s1, s30  }
0xb9: {  	s0 =	sor.u32 s3, s0;
	s1 =	sshll.u32 s1, $0x11  }
0xba: {  	s0 =	sor.u32 s1, s0  }
0xbb: {  	s0 =	sadd.s32 $0x8F2B, s0  }
0xbc: {  	[sflag:s0] =	ssyncadd.remote.s32 $0x1  }
0xbd: {  	_ =	sfence.sel $0xFFFF  }
0xbe: {  	[dreg:$0x0] =	wrdreg $0xFFFFFFFF;
	(pc) =	sbr.abs _section_cstart, $3  }
0xbf: {  	[dreg:$0x1] =	wrdreg $0xFFFFFFFF  }
0xc0: {  	_ =	task.clear_ibuf [dreg:s6], $0x2FFFF;
	_ =	strace $0x9FFFFFFF  }
0xc1: {  	(tm) =	ssettm $0x7FFFFFFF  }
tec
execute0_lowered:
.L_overlay_start_1:
0x0: {  	(tag) =	ssettag $0x1  }
0x1: {  	s3 =	rddreg [dreg:$0x0];
	s2 =	srdreg.scid  }
0x2: {  	s0 =	rddreg [dreg:$0x1];
	s1 =	stileid.u32;
	s7 =	simm.s32 $0x1  }
0x3: {  	s8 =	simm.s32 $0x10000;
	s9 =	simm.s32 $0x8000;
	s4 =	sand.u32 $0x1, s2  }
0x4: {  	s10 =	simm.s32 $0x0;
	s5 =	sshll.u32 s1, $0xD;
	s6 =	sshll.u32 s4, $0xC  }
0x5: {  	v0 =	vlaneseq.u32;
	s2 =	simm.s32 $0x0;
	s4 =	ssub.s32 $0x2, s4;
	s5 =	sor.u32 s6, s5  }
0x6: {  	v4 =	vmul.u32 $0xFFFFFFFF, v0;
	[smem:$0x7FF] =	sst s2;
	s30 =	sshrl.u32 s4, $0x1;
	s5 =	sadd.s32 s5, s3  }
0x7: {  	vm0 =	vmmov $0xff;
	v5 =	vimm.f32 $0.0e+00;
	v1 =	vor.u32 $0x10, v0;
	_ =	strace $0x80000047;
	s31 =	ssub.s32 s4, s30;
	s3 =	sadd.s32 $0x3000, s5  }
0x8: {  	v2 =	vor.u32 $0x20, v0;
	v3 =	vor.u32 $0x30, v0;
	v4 =	vadd.s32 $0xF, v4;
	s4 =	sadd.s32 $0x23000, s5;
	s5 =	sadd.s32 $0x43000, s5;
	s6 =	smax.u32 s31, $0x1  }
.LBB2_1:
0x9: {  	[tilespmem:s2], [sflag:$0x1] =	stream.linear.gather [hbm4b:s3+s2], $0x8000, $0x38;
	[tilespmem:$0x18000] =	vst v63  }
0xa: {  	_ =	swait.ge [sflag:s7], $0x8000  }
0xb: {  	[sflag:s7] =	ssyncset.done $0x0  }
0xc: {  	s13 =	simm.s32 $0x20;
	[sflag:s7] =	ssyncadd.s32 $0xFFFF8000  }
0xd: {  	v7 =	vld [tilespmem:s13+$0x10]  }
0xe: {  	v6 =	vld [tilespmem:s13+$0x0]  }
0xf: {  	s11 =	simm.s32 $0x10020;
	s14 =	simm.s32 $0x1;
	s12 =	simm.s32 $0x0;
	v8 =	vld [tilespmem:s13+$0xFFFFFFF0]  }
.LBB2_2:
0x10: {  	p0 =	sne.s32 s14, $0xFF;
	v9 =	vld [tilespmem:s13+$0xFFFFFFE0];
	[tilespmem:s11+$0xFFFFFFF0] =	vst v5;
	_ =	sdelay $0x2  }
0x11: {  	(xrf1) =	vsort.dscd.msk.f32 $0xffff, v7, v3  }
0x12: {  	(xrf1) =	vsort.dscd.msk.f32 $0xffff, v8, v1  }
0x13: {  	(xrf1) =	vsort.dscd.msk.f32 $0xffff, v6, v2  }
0x14: {  	(xrf1) =	vsort.dscd.msk.f32 $0xffff, v9, v0;
	_ =	sdelay $0xa  }
0x15: {  	v6, v7, _ =	vpop (xrf1)  }
0x16: {  	v6 =	vperm.xlane v6, v4;
	v7 =	vperm.xlane v7, v4;
	v8, v9, _ =	vpop (xrf1)  }
0x17: {  	v8 =	vperm.xlane v8, v4;
	v10, v11, _ =	vpop (xrf1)  }
0x18: {  	v9 =	vperm.xlane v9, v4;
	v6 =	vsel vm0, v10, v6;
	v7 =	vsel vm0, v11, v7;
	v10, v11, _ =	vpop (xrf1)  }
0x19: {  	(xrf1) =	vsort.dscd.msk.f32 $0xffff, v6, v7  }
0x1a: {  	v6 =	vsel vm0, v10, v8;
	v7 =	vsel vm0, v11, v9  }
0x1b: {  	(xrf1) =	vsort.dscd.msk.f32 $0xffff, v6, v7;
	_ =	sdelay $0xb  }
0x1c: {  	v6, v7, _ =	vpop (xrf1)  }
0x1d: {  	v6 =	vperm.xlane v6, v4;
	v7 =	vperm.xlane v7, v4  }
0x1e: {  	v8, v9, _ =	vpop (xrf1)  }
0x1f: {  	v6 =	vsel vm0, v8, v6;
	v7 =	vsel vm0, v9, v7  }
0x20: {  	(xrf1) =	vsort.dscd.msk.f32 $0xffff, v6, v7;
	_ =	sdelay $0xd  }
0x21: {  	v6, v7, _ =	vpop (xrf1)  }
0x22: {  	v8 =	vand.u32 $0xFFFFFF80, v7;
	v9 =	vand.u32 $0x7F, v7;
	(xrf0) =	vmax.scan.msk.f32 $0xffff, v6;
	_ =	sdelay $0x5  }
0x23: {  	v10, _, _ =	vpop (xrf0)  }
0x24: {  	v10 =	vbroadcast v10, $0xF;
	_ =	sdelay $0x1  }
0x25: {  	v6 =	vsub.f32 v6, v10;
	_ =	sdelay $0x1  }
0x26: {  	v6 =	vmul.f32 $1.442695020e+00, v6;
	_ =	sdelay $0x1  }
0x27: {  	(erf) = vpow2.f32 v6;
	_ =	sdelay $0x8  }
0x28: {  	v6 =	vpop (erf)  }
0x29: {  	v6 =	vnsel vm0, $0x0, v6  }
0x2a: {  	(xrf2) =	vadd.scan.msk.f32 $0xffff, v6;
	_ =	sdelay $0x9  }
0x2b: {  	v10, _, _ =	vpop (xrf2)  }
0x2c: {  	v10 =	vbroadcast v10, $0xF;
	_ =	sdelay $0x1  }
0x2d: {  	(erf) = vrcp.f32 v10;
	_ =	sdelay $0x4  }
0x2e: {  	s15 =	sshll.u32 s12, $0x7;
	s12 =	smov.u32 s14  }
0x2f: {  	v8 =	vadd.s32 s15, v8  }
0x30: {  	v8 =	vor.u32 v9, v8  }
0x31: {  	v9 =	vor.u32 s15, v0  }
0x32: {  	[tilespmem:s11+$0xFFFFFFE0] =	vst v5;
	v10 =	vpop (erf)  }
0x33: {  	v6 =	vmul.f32 v10, v6;
	[tilespmem:s11+$0x0] =	vst v5  }
0x34: {  	[tilespmem:s11+$0x10] =	vst v5  }
.Ltmp0:
0x35: {  	[tilespmem:v8+s8+$0x0] =	vst.idx.msk $0xff, v6;
	(pc) =	sbr.rel @p0 .LBB2_2-.Ltmp0, $4  }
0x36: {  	s13 =	sadd.s32 $0x80, s13;
	[tilespmem:v9+s9+$0x0] =	vst.idx.msk $0xff, v7  }
0x37: {  	v7 =	vld [tilespmem:s13+$0x10]  }
0x38: {  	v6 =	vld [tilespmem:s13+$0x0]  }
0x39: {  	s14 =	sadd.s32 $0x1, s14;
	s11 =	sadd.s32 $0x80, s11;
	v8 =	vld [tilespmem:s13+$0xFFFFFFF0]  }
0x3a: {  	_ =	sdelay $0x1  }
0x3b: {  	v9 =	vld [tilespmem:s13+$0xFFFFFFE0]  }
0x3c: {  	(xrf1) =	vsort.dscd.msk.f32 $0xffff, v7, v3  }
0x3d: {  	(xrf1) =	vsort.dscd.msk.f32 $0xffff, v8, v1  }
0x3e: {  	(xrf1) =	vsort.dscd.msk.f32 $0xffff, v6, v2;
	_ =	sdelay $0x1  }
0x3f: {  	(xrf1) =	vsort.dscd.msk.f32 $0xffff, v9, v0;
	_ =	sdelay $0x9  }
0x40: {  	v6, v7, _ =	vpop (xrf1)  }
0x41: {  	v6 =	vperm.xlane v6, v4;
	v7 =	vperm.xlane v7, v4;
	v8, v53, _ =	vpop (xrf1)  }
0x42: {  	v8 =	vperm.xlane v8, v4;
	v10, v11, _ =	vpop (xrf1)  }
0x43: {  	v9 =	vperm.xlane v53, v4;
	v6 =	vsel vm0, v10, v6;
	v7 =	vsel vm0, v11, v7  }
0x44: {  	v54, v55, _ =	vpop (xrf1);
	(xrf1) =	vsort.dscd.msk.f32 $0xffff, v6, v7  }
0x45: {  	v6 =	vsel vm0, v54, v8;
	v7 =	vsel vm0, v55, v9  }
0x46: {  	(xrf1) =	vsort.dscd.msk.f32 $0xffff, v6, v7;
	_ =	sdelay $0xb  }
0x47: {  	v6, v7, _ =	vpop (xrf1)  }
0x48: {  	v6 =	vperm.xlane v6, v4;
	v7 =	vperm.xlane v7, v4  }
0x49: {  	v56, v57, _ =	vpop (xrf1)  }
0x4a: {  	v6 =	vsel vm0, v56, v6;
	v7 =	vsel vm0, v57, v7  }
0x4b: {  	(xrf1) =	vsort.dscd.msk.f32 $0xffff, v6, v7;
	_ =	sdelay $0xd  }
0x4c: {  	v6, v7, _ =	vpop (xrf1)  }
0x4d: {  	(xrf0) =	vmax.scan.msk.f32 $0xffff, v6;
	_ =	sdelay $0x5  }
0x4e: {  	v58, _, _ =	vpop (xrf0)  }
0x4f: {  	v8 =	vbroadcast v58, $0xF;
	_ =	sdelay $0x1  }
0x50: {  	v6 =	vsub.f32 v6, v8;
	_ =	sdelay $0x1  }
0x51: {  	v6 =	vmul.f32 $1.442695020e+00, v6;
	_ =	sdelay $0x1  }
0x52: {  	(erf) = vpow2.f32 v6;
	_ =	sdelay $0x8  }
0x53: {  	v6 =	vpop (erf)  }
0x54: {  	v6 =	vnsel vm0, $0x0, v6  }
0x55: {  	(xrf2) =	vadd.scan.msk.f32 $0xffff, v6;
	_ =	sdelay $0x9  }
0x56: {  	v59, _, _ =	vpop (xrf2)  }
0x57: {  	v8 =	vbroadcast v59, $0xF;
	_ =	sdelay $0x1  }
0x58: {  	(erf) = vrcp.f32 v8;
	_ =	sdelay $0x4  }
0x59: {  	s12 =	sshll.u32 s12, $0x7;
	v60 =	vand.u32 $0xFFFFFF80, v7  }
0x5a: {  	v61 =	vand.u32 $0x7F, v7;
	v8 =	vadd.s32 s12, v60  }
0x5b: {  	v8 =	vor.u32 v61, v8  }
0x5c: {  	[tilespmem:s11+$0xFFFFFFF0] =	vst v5;
	v62 =	vor.u32 s12, v0  }
0x5d: {  	[tilespmem:s11+$0xFFFFFFE0] =	vst v5;
	v63 =	vpop (erf)  }
0x5e: {  	[tilespmem:s11+$0x0] =	vst v5;
	v6 =	vmul.f32 v63, v6  }
0x5f: {  	[tilespmem:s11+$0x10] =	vst v5  }
0x60: {  	[tilespmem:v8+s8+$0x0] =	vst.idx.msk $0xff, v6  }
0x61: {  	[tilespmem:v62+s9+$0x0] =	vst.idx.msk $0xff, v7  }
0x62: {  	[hbm4b:s4+s2] =	stream.linear.scatter [tilespmem:s9], [sflag:$0x1], $0x8000, $0x38;
	[tilespmem:$0x18000] =	vst v63  }
0x63: {  	s10 =	sadd.s32 $0x1, s10;
	_ =	swait.ge [sflag:s7], $0x8000  }
0x64: {  	p0 =	sne.s32 s10, s6;
	[sflag:s7] =	ssyncset.done $0x0  }
.Ltmp1:
0x65: {  	[sflag:s7] =	ssyncadd.s32 $0xFFFF8000;
	(pc) =	sbr.rel @p0 .LBB2_1-.Ltmp1, $4  }
0x66: {  	[hbm4b:s5+s2] =	stream.linear.scatter [tilespmem:s8], [sflag:$0x1], $0x8000, $0x38;
	[tilespmem:$0x18000] =	vst v63  }
0x67: {  	_ =	swait.ge [sflag:s7], $0x8000  }
0x68: {  	[sflag:s7] =	ssyncset.done $0x0  }
0x69: {  	[sflag:s7] =	ssyncadd.s32 $0xFFFF8000  }
0x6a: {  	_ =	sfence.sel $0x180000  }
0x6b: {  	[bflag:$0x0] =	sbarrier.arrive $0xFFFF  }
0x6c: {  	p0 =	sne.s32 s1, $0x0;
	_ =	strace $0x90000047  }
0x6d: {  	s0 =	sadd.s32 @!p0 $0x100000, s0;
	[bflag:$0x2] =	sbarrier.arrive $0xFFFF  }
0x6e: {  	[sflag:s0] =	ssyncadd.tile.s32 @!p0 $0x1;
	_ =	shalt  }
.Lfunc_end2:
_tile_overlayer_lowered:
.L_overlay_start_2:
0x6f: {  	(tag) =	ssettag $0x2  }
0x70: {  	s0 =	rddreg [dreg:$0x0];
	s2 =	stileid.u32  }
0x71: {  	s1 =	rddreg [dreg:$0x1];
	p0 =	sne.s32 s2, $0x0  }
0x72: {  	s3 =	rddreg [dreg:$0x2];
	[bflag:$0x3] =	sbarrier.arrive $0xFFFF;
	s2 =	simm.s32 @!p0 $0x1C01  }
0x73: {  	[timem:s3], [sflag:s2] =	dma.local @!p0 [hbm:s0], s1  }
0x74: {  	s0 =	simm.s32 @!p0 $0x1  }
0x75: {  	_ =	swait.ge @!p0 [sflag:s0], s1  }
0x76: {  	s1 =	ssub.s32 @!p0 $0x0, s1;
	[sflag:s0] =	ssyncset.done @!p0 $0x0  }
0x77: {  	[sflag:s0] =	ssyncadd.s32 @!p0 s1  }
0x78: {  	[bflag:$0x3] =	sbarrier.arrive $0xFFFF  }
0x79: {  	_ =	shalt  }

// kernel: kernel.16.cloned.1.call-start
scs
__scs_entry_jumppad:
0x0: {  	(pc) =	sbr.rel $0x88, $3  }
0x1: {  	(tag) =	ssettag $0x0;
	lr =	simm.s32 $0x1  }
0x2: {  	[smem:$0x3F9E] =	sst lr;
	_ =	strace $0xD0000000  }
0x3: {  	_ = 	snop  }
0x4: {  	_ = 	snop  }
0x5: {  	_ = 	snop  }
0x6: {  	_ = 	snop  }
0x7: {  	_ = 	snop  }
__scs_overlays_trampoline_lowered:
0x8: {  	[smem:$0x3FAD] =	sst s0  }
0x9: {  	[smem:$0x3FAE] =	sst s1  }
0xa: {  	[smem:$0x3FAF] =	sst s2  }
0xb: {  	[smem:$0x3FB0] =	sst s3  }
0xc: {  	[smem:$0x3FB1] =	sst s4  }
0xd: {  	[smem:$0x3FB2] =	sst s5  }
0xe: {  	[smem:$0x3FB3] =	sst s6  }
0xf: {  	[smem:$0x3FB4] =	sst s7  }
0x10: {  	[smem:$0x3FB5] =	sst s8  }
0x11: {  	[smem:$0x3FB6] =	sst s9;
	s0 =	simm.s32 @!p0 $0x0  }
0x12: {  	s1 =	sld [smem:$0x3F9C];
	s0 =	simm.s32 @p0 $0x1  }
0x13: {  	[smem:$0x3FB7] =	sst s0;
	s0 =	simm.s32 @!p1 $0x0  }
0x14: {  	s2 =	sld [smem:$0x3F9B];
	s0 =	simm.s32 @p1 $0x1  }
0x15: {  	[smem:$0x3FB8] =	sst s0;
	s0 =	simm.s32 @!p2 $0x0  }
0x16: {  	s3 =	sld [smem:$0x3FDB];
	s0 =	simm.s32 @p2 $0x1  }
0x17: {  	s4 =	simm.s32 $0x1BF5;
	[smem:$0x3FBA] =	sst s0  }
0x18: {  	s0 =	sld [smem:$0x3F9D];
	_ =	swait.ge [sflag:s4], $0x0  }
0x19: {  	s7 =	sld [smem:$0x3F9E]  }
0x1a: {  	s8 =	sadd.s32 $0xFFFFE003, lr  }
0x1b: {  	s9 =	sadd.s32 $0xFFFFFEF7, lr;
	s5 =	simm.s32 $0xFFFFFFFF;
	p2 =	slt.u32 s8, $0xFFFFF086  }
0x1c: {  	p1 =	slt.u32 s9, $0xF7A;
	s5 =	simm.s32 @!p2 $0x0  }
0x1d: {  	s5 =	simm.s32 @p1 $0x1;
	p0 =	seq.s32 s7, s2  }
0x1e: {  	s7 =	smul.u32 @!p0 $0xF7A, s2;
	p2 =	seq.s32 @!p0 s5, $0x0  }
0x1f: {  	s9 =	smul.u32 $0xF7A, s1;
	s8 =	simm.s32 @!p0 $0x1BF5;
	p2 =	por !p2, p0  }
0x20: {  	[sflag:s8] =	ssyncset.s32 @!p0 $0xFFFFF086;
	s6 =	sadd.s32 @!p0 s3, s7;
	s7 =	simm.s32 @!p0 $0x108  }
0x21: {  	s3 =	sadd.s32 s3, s9;
	s6 =	sadd.s32 @!p0 $0x88, s6;
	s7 =	simm.s32 @p2 $0x1082  }
0x22: {  	[simem:s7], [sflag:s8] =	dma.local @!p0 [hbm:s6], $0xF7A  }
0x23: {  	s9 =	sor.u32 $0xD0000000, s2;
	s6 =	simm.s32 $0x108;
	_ =	swait.ge @!p0 [sflag:s8], $0x0  }
0x24: {  	s3 =	sadd.s32 $0x88, s3;
	s6 =	simm.s32 @!p1 $0x1082;
	[sflag:s4] =	ssyncset.s32 $0xFFFFF086  }
0x25: {  	[simem:s6], [sflag:s4] =	dma.local [hbm:s3], $0xF7A  }
0x26: {  	[smem:$0x3F9E] =	sst s1;
	(tag) =	ssettag s2;
	_ =	strace s9  }
0x27: {  	s1 =	sld [smem:$0x3FAE]  }
0x28: {  	s2 =	sld [smem:$0x3FAF]  }
0x29: {  	s4 =	sld [smem:$0x3FB1]  }
0x2a: {  	p0 =	seq.s32 s5, $0x0;
	s5 =	sld [smem:$0x3FB2]  }
0x2b: {  	s6 =	sld [smem:$0x3FB3]  }
0x2c: {  	s7 =	sld [smem:$0x3FB4]  }
0x2d: {  	s3 =	simm.s32 $0x108;
	s8 =	sld [smem:$0x3FB5]  }
0x2e: {  	s3 =	simm.s32 @!p0 $0x1082;
	s9 =	sld [smem:$0x3FB6]  }
0x2f: {  	lr =	sadd.s32 s0, s3;
	s0 =	sld [smem:$0x3FAD]  }
0x30: {  	s3 =	sld [smem:$0x3FB0]  }
0x31: {  	[smem:$0x3FB9] =	sst s10  }
0x32: {  	s10 =	sld [smem:$0x3FB7];
	_ =	sdelay $0x3  }
0x33: {  	p0 =	seq.s32 s10, $0x1;
	s10 =	sld [smem:$0x3FB9];
	_ =	sdelay $0x3  }
0x34: {  	[smem:$0x3FB9] =	sst s10  }
0x35: {  	s10 =	sld [smem:$0x3FB8];
	_ =	sdelay $0x3  }
0x36: {  	p1 =	seq.s32 s10, $0x1;
	s10 =	sld [smem:$0x3FB9];
	_ =	sdelay $0x3  }
0x37: {  	[smem:$0x3FB9] =	sst s10  }
0x38: {  	s10 =	sld [smem:$0x3FBA]  }
0x39: {  	_ = 	snop;
	(pc) =	sbr.ind lr, $3  }
0x3a: {  	_ = 	snop  }
0x3b: {  	_ = 	snop  }
0x3c: {  	p2 =	seq.s32 s10, $0x1;
	s10 =	sld [smem:$0x3FB9]  }
0x3d: {  	_ =	shalt  }
0x3e: {  	_ =	shalt  }
0x3f: {  	_ =	shalt  }
0x40: {  	_ =	shalt  }
0x41: {  	_ =	shalt  }
0x42: {  	_ =	shalt  }
0x43: {  	_ =	shalt  }
0x44: {  	_ =	shalt  }
0x45: {  	_ =	shalt  }
0x46: {  	_ =	shalt  }
0x47: {  	_ =	shalt  }
0x48: {  	_ =	shalt  }
0x49: {  	_ =	shalt  }
0x4a: {  	_ =	shalt  }
0x4b: {  	_ =	shalt  }
0x4c: {  	_ =	shalt  }
0x4d: {  	_ =	shalt  }
0x4e: {  	_ =	shalt  }
0x4f: {  	_ =	shalt  }
0x50: {  	_ =	shalt  }
0x51: {  	_ =	shalt  }
0x52: {  	_ =	shalt  }
0x53: {  	_ =	shalt  }
0x54: {  	_ =	shalt  }
0x55: {  	_ =	shalt  }
0x56: {  	_ =	shalt  }
0x57: {  	_ =	shalt  }
0x58: {  	_ =	shalt  }
0x59: {  	_ =	shalt  }
0x5a: {  	_ =	shalt  }
0x5b: {  	_ =	shalt  }
0x5c: {  	_ =	shalt  }
0x5d: {  	_ =	shalt  }
0x5e: {  	_ =	shalt  }
0x5f: {  	_ =	shalt  }
0x60: {  	_ =	shalt  }
0x61: {  	_ =	shalt  }
0x62: {  	_ =	shalt  }
0x63: {  	_ =	shalt  }
0x64: {  	_ =	shalt  }
0x65: {  	_ =	shalt  }
0x66: {  	_ =	shalt  }
0x67: {  	_ =	shalt  }
0x68: {  	_ =	shalt  }
0x69: {  	_ =	shalt  }
0x6a: {  	_ =	shalt  }
0x6b: {  	_ =	shalt  }
0x6c: {  	_ =	shalt  }
0x6d: {  	_ =	shalt  }
0x6e: {  	_ =	shalt  }
0x6f: {  	_ =	shalt  }
0x70: {  	_ =	shalt  }
0x71: {  	_ =	shalt  }
0x72: {  	_ =	shalt  }
0x73: {  	_ =	shalt  }
0x74: {  	_ =	shalt  }
0x75: {  	_ =	shalt  }
0x76: {  	_ =	shalt  }
0x77: {  	_ =	shalt  }
0x78: {  	_ =	shalt  }
0x79: {  	_ =	shalt  }
0x7a: {  	_ =	shalt  }
0x7b: {  	_ =	shalt  }
0x7c: {  	_ =	shalt  }
0x7d: {  	_ =	shalt  }
0x7e: {  	_ =	shalt  }
0x7f: {  	_ =	shalt  }
0x80: {  	_ =	shalt  }
0x81: {  	_ =	shalt  }
0x82: {  	_ =	shalt  }
0x83: {  	_ =	shalt  }
0x84: {  	_ =	shalt  }
0x85: {  	_ =	shalt  }
0x86: {  	_ =	shalt  }
0x87: {  	_ =	shalt  }
.Lfunc_end0:
.L_simem_size_0:
called_computation.2_lowered:
.L_overlay_start_0:
0x88: {  	s2 =	sld [smem:$0x3FD9]  }
0x89: {  	s3 =	sld [smem:$0x3FFE];
	_ =	sdelay $0x1  }
0x8a: {  	s1 =	srdreg.scid  }
0x8b: {  	s0 =	sand.u32 $0x1, s1  }
0x8c: {  	s17 =	sshll.u32 s0, $0xA;
	s2 =	sadd.s32 s3, s2  }
0x8d: {  	s2 =	sadd.s32 s2, s17  }
0x8e: {  	[smem:$0x3FC5] =	sst s2  }
0x8f: {  	_ = 	snop  }
0x90: {  	(tm) =	ssettm $0x1  }
0x91: {  	s18 =	sld [smem:$0x3FFB];
	_ =	sdelay $0x3  }
0x92: {  	_ =	strace s18  }
0x93: {  	s2 =	sld [smem:$0x3FFC];
	_ =	sdelay $0x3  }
0x94: {  	_ =	strace s2  }
0x95: {  	s2 =	sld [smem:$0x3FFD];
	_ =	sdelay $0x3  }
0x96: {  	_ =	strace s2  }
0x97: {  	_ =	strace $0x8FFFFFFF  }
0x98: {  	s19 =	sld [smem:$0x3FDB];
	_ =	sdelay $0x1  }
0x99: {  	s20 =	simm.s32 $_scs_section_size  }
0x9a: {  	s4 =	simm.s32 $_size__tile_overlayer_lowered;
	s5 =	simm.s32 $_tile_overlayer_lowered  }
0x9b: {  	s6 =	simm.s32 $0x1BFF;
	s21 =	sshll.u32 s5, $0x1;
	s3 =	sadd.s32 s20, s19  }
0x9c: {  	s22 =	simm.s32 $0x0;
	s4 =	sshll.u32 s4, $0x1;
	s5 =	sadd.s32 s21, s3  }
0x9d: {  	[timem:s22], [sflag:s6] =	dma.local [hbm:s5], s4  }
0x9e: {  	_ =	swait.ge [sflag:s6], s4  }
0x9f: {  	s4 =	ssub.s32 $0x0, s4;
	[sflag:s6] =	ssyncset.done $0x0  }
0xa0: {  	[sflag:s6] =	ssyncadd.s32 s4;
	_ =	sdelay $0x1  }
0xa1: {  	s23 =	simm.s32 $0x1B8B  }
0xa2: {  	_ =	swait.ge [sflag:s23], $0x1  }
0xa3: {  	[sflag:s23] =	ssyncset.done $0x0  }
0xa4: {  	[sflag:s23] =	ssyncadd.s32 $0xFFFFFFFF  }
0xa5: {  	s4 =	sld [smem:$0x0]  }
0xa6: {  	s5 =	sand.u32 $0xFFFFFFFE, s1  }
0xa7: {  	p0 =	sne.s32 s1, s5  }
0xa8: {  	s5 =	sshll.u32 @p0 s5, $0xE  }
0xa9: {  	s5 =	sadd.s32 @p0 $0x11B8D, s5;
	s6 =	sshll.u32 @p0 s4, $0x11  }
0xaa: {  	s5 =	sor.u32 @p0 s6, s5  }
0xab: {  	[sflag:s5] =	ssyncadd.remote.s32 @p0 $0x1;
	_ =	sdelay $0x1  }
0xac: {  	s5 =	simm.s32 @p0 $0x1B8D  }
0xad: {  	_ =	swait.eq @p0 [sflag:s5], $0x1  }
0xae: {  	[sflag:s5] =	ssyncadd.s32 @p0 $0xFFFFFFFF  }
0xaf: {  	s6 =	sshll.u32 @!p0 s1, $0xE  }
0xb0: {  	s6 =	sor.u32 @!p0 $0x4000, s6;
	s5 =	simm.s32 @!p0 $0x1B8D  }
0xb1: {  	s4 =	sshll.u32 @!p0 s4, $0x11;
	s6 =	sadd.s32 @!p0 $0x11B8D, s6;
	_ =	swait.eq @!p0 [sflag:s5], $0x1  }
0xb2: {  	s4 =	sor.u32 @!p0 s4, s6;
	[sflag:s5] =	ssyncadd.s32 @!p0 $0xFFFFFFFF  }
0xb3: {  	s25 =	simm.s32 $0x1B8E;
	s24 =	sld [smem:$0x3FFE];
	[sflag:s4] =	ssyncadd.remote.s32 @!p0 $0x1  }
0xb4: {  	s26 =	simm.s32 $execute0_lowered;
	[smem:$0x3FD2] =	sst s25  }
0xb5: {  	s5 =	sshll.u32 s26, $0x1;
	_ =	strace $0x80000049;
	[dreg:$0x1] =	wrdreg $0xFFFFFFFF  }
0xb6: {  	s28 =	simm.s32 $_size_execute0_lowered;
	s3 =	sadd.s32 s3, s5;
	[dreg:$0x0] =	wrdreg $0x0  }
0xb7: {  	s5 =	sshll.u32 s28, $0x1;
	[dreg:$0x2] =	wrdreg s3  }
0xb8: {  	[dreg:$0x3] =	wrdreg s5  }
0xb9: {  	[dreg:$0x4] =	wrdreg $0xC0  }
0xba: {  	_ =	task [dreg:s22], $0x5FFFF  }
0xbb: {  	[dreg:$0x1] =	wrdreg $0xFFFFFFFF  }
0xbc: {  	[dreg:$0x0] =	wrdreg $0x60  }
0xbd: {  	[dreg:$0x2] =	wrdreg s24  }
0xbe: {  	[dreg:$0x3] =	wrdreg $0xB  }
0xbf: {  	_ =	task.clear_ibuf [dreg:s22], $0x4FFFF;
	_ =	strace $0x90000049  }
0xc0: {  	s29 =	simm.s32 $0xB;
	_ =	strace $0x8000004B  }
0xc1: {  	_ =	swait.ge [sflag:s29], $0x1  }
0xc2: {  	[sflag:s29] =	ssyncadd.s32 $0xFFFFFFFF  }
0xc3: {  	_ =	strace $0x9000004B  }
0xc4: {  	_ =	sfence  }
0xc5: {  	s30 =	sld [smem:$0x0];
	_ =	sdelay $0x2  }
0xc6: {  	s31 =	sshll.u32 s1, $0xD;
	s1 =	sshrl.u32 s1, $0x2  }
0xc7: {  	s4 =	sand.u32 $0x4000, s31;
	s1 =	sadd.s32 s1, s30  }
0xc8: {  	s0 =	sor.u32 s4, s0;
	s1 =	sshll.u32 s1, $0x11  }
0xc9: {  	s0 =	sor.u32 s1, s0  }
0xca: {  	s0 =	sadd.s32 $0x8F2B, s0  }
0xcb: {  	[sflag:s0] =	ssyncadd.remote.s32 $0x1  }
0xcc: {  	_ =	sfence.sel $0xFFFF  }
0xcd: {  	[dreg:$0x0] =	wrdreg $0xFFFFFFFF;
	(pc) =	sbr.abs _section_cstart, $3  }
0xce: {  	[dreg:$0x1] =	wrdreg $0xFFFFFFFF  }
0xcf: {  	_ =	task.clear_ibuf [dreg:s22], $0x2FFFF;
	_ =	strace $0x9FFFFFFF  }
0xd0: {  	(tm) =	ssettm $0x7FFFFFFF  }
0xd1: {  	_ =	shalt  }
tec
execute0_lowered:
.L_overlay_start_1:
0x0: {  	(tag) =	ssettag $0x1  }
0x1: {  	s3 =	rddreg [dreg:$0x0];
	s2 =	srdreg.scid  }
0x2: {  	s0 =	rddreg [dreg:$0x1];
	s1 =	stileid.u32;
	s7 =	simm.s32 $0x1  }
0x3: {  	s8 =	simm.s32 $0x10000;
	s9 =	simm.s32 $0x8000;
	s4 =	sand.u32 $0x1, s2  }
0x4: {  	s10 =	simm.s32 $0x0;
	s5 =	sshll.u32 s1, $0xD;
	s6 =	sshll.u32 s4, $0xC  }
0x5: {  	v0 =	vlaneseq.u32;
	s2 =	simm.s32 $0x0;
	s4 =	ssub.s32 $0x2, s4;
	s5 =	sor.u32 s6, s5  }
0x6: {  	v4 =	vmul.u32 $0xFFFFFFFF, v0;
	[smem:$0x7FF] =	sst s2;
	s30 =	sshrl.u32 s4, $0x1;
	s5 =	sadd.s32 s5, s3  }
0x7: {  	vm0 =	vmmov $0xff;
	v5 =	vimm.f32 $0.0e+00;
	v1 =	vor.u32 $0x10, v0;
	_ =	strace $0x8000004A;
	s31 =	ssub.s32 s4, s30;
	s3 =	sadd.s32 $0x63000, s5  }
0x8: {  	v2 =	vor.u32 $0x20, v0;
	v3 =	vor.u32 $0x30, v0;
	v4 =	vadd.s32 $0xF, v4;
	s4 =	sadd.s32 $0x83000, s5;
	s5 =	sadd.s32 $0xA3000, s5;
	s6 =	smax.u32 s31, $0x1  }
.LBB2_1:
0x9: {  	[tilespmem:s2], [sflag:$0x1] =	stream.linear.gather [hbm4b:s3+s2], $0x8000, $0x38;
	[tilespmem:$0x18000] =	vst v63  }
0xa: {  	_ =	swait.ge [sflag:s7], $0x8000  }
0xb: {  	[sflag:s7] =	ssyncset.done $0x0  }
0xc: {  	s13 =	simm.s32 $0x20;
	[sflag:s7] =	ssyncadd.s32 $0xFFFF8000  }
0xd: {  	v7 =	vld [tilespmem:s13+$0x10]  }
0xe: {  	v6 =	vld [tilespmem:s13+$0x0]  }
0xf: {  	s11 =	simm.s32 $0x10020;
	s14 =	simm.s32 $0x1;
	s12 =	simm.s32 $0x0;
	v8 =	vld [tilespmem:s13+$0xFFFFFFF0]  }
.LBB2_2:
0x10: {  	p0 =	sne.s32 s14, $0xFF;
	v9 =	vld [tilespmem:s13+$0xFFFFFFE0];
	[tilespmem:s11+$0xFFFFFFF0] =	vst v5;
	_ =	sdelay $0x2  }
0x11: {  	(xrf1) =	vsort.dscd.msk.f32 $0xffff, v7, v3  }
0x12: {  	(xrf1) =	vsort.dscd.msk.f32 $0xffff, v8, v1  }
0x13: {  	(xrf1) =	vsort.dscd.msk.f32 $0xffff, v6, v2  }
0x14: {  	(xrf1) =	vsort.dscd.msk.f32 $0xffff, v9, v0;
	_ =	sdelay $0xa  }
0x15: {  	v6, v7, _ =	vpop (xrf1)  }
0x16: {  	v6 =	vperm.xlane v6, v4;
	v7 =	vperm.xlane v7, v4;
	v8, v9, _ =	vpop (xrf1)  }
0x17: {  	v8 =	vperm.xlane v8, v4;
	v10, v11, _ =	vpop (xrf1)  }
0x18: {  	v9 =	vperm.xlane v9, v4;
	v6 =	vsel vm0, v10, v6;
	v7 =	vsel vm0, v11, v7;
	v10, v11, _ =	vpop (xrf1)  }
0x19: {  	(xrf1) =	vsort.dscd.msk.f32 $0xffff, v6, v7  }
0x1a: {  	v6 =	vsel vm0, v10, v8;
	v7 =	vsel vm0, v11, v9  }
0x1b: {  	(xrf1) =	vsort.dscd.msk.f32 $0xffff, v6, v7;
	_ =	sdelay $0xb  }
0x1c: {  	v6, v7, _ =	vpop (xrf1)  }
0x1d: {  	v6 =	vperm.xlane v6, v4;
	v7 =	vperm.xlane v7, v4  }
0x1e: {  	v8, v9, _ =	vpop (xrf1)  }
0x1f: {  	v6 =	vsel vm0, v8, v6;
	v7 =	vsel vm0, v9, v7  }
0x20: {  	(xrf1) =	vsort.dscd.msk.f32 $0xffff, v6, v7;
	_ =	sdelay $0xd  }
0x21: {  	v6, v7, _ =	vpop (xrf1)  }
0x22: {  	v8 =	vand.u32 $0xFFFFFF80, v7;
	v9 =	vand.u32 $0x7F, v7;
	(xrf0) =	vmax.scan.msk.f32 $0xffff, v6;
	_ =	sdelay $0x5  }
0x23: {  	v10, _, _ =	vpop (xrf0)  }
0x24: {  	v10 =	vbroadcast v10, $0xF;
	_ =	sdelay $0x1  }
0x25: {  	v6 =	vsub.f32 v6, v10;
	_ =	sdelay $0x1  }
0x26: {  	v6 =	vmul.f32 $1.442695020e+00, v6;
	_ =	sdelay $0x1  }
0x27: {  	(erf) = vpow2.f32 v6;
	_ =	sdelay $0x8  }
0x28: {  	v6 =	vpop (erf)  }
0x29: {  	v6 =	vnsel vm0, $0x0, v6  }
0x2a: {  	(xrf2) =	vadd.scan.msk.f32 $0xffff, v6;
	_ =	sdelay $0x9  }
0x2b: {  	v10, _, _ =	vpop (xrf2)  }
0x2c: {  	v10 =	vbroadcast v10, $0xF;
	_ =	sdelay $0x1  }
0x2d: {  	(erf) = vrcp.f32 v10;
	_ =	sdelay $0x4  }
0x2e: {  	s15 =	sshll.u32 s12, $0x7;
	s12 =	smov.u32 s14  }
0x2f: {  	v8 =	vadd.s32 s15, v8  }
0x30: {  	v8 =	vor.u32 v9, v8  }
0x31: {  	v9 =	vor.u32 s15, v0  }
0x32: {  	[tilespmem:s11+$0xFFFFFFE0] =	vst v5;
	v10 =	vpop (erf)  }
0x33: {  	v6 =	vmul.f32 v10, v6;
	[tilespmem:s11+$0x0] =	vst v5  }
0x34: {  	[tilespmem:s11+$0x10] =	vst v5  }
.Ltmp0:
0x35: {  	[tilespmem:v8+s8+$0x0] =	vst.idx.msk $0xff, v6;
	(pc) =	sbr.rel @p0 .LBB2_2-.Ltmp0, $4  }
0x36: {  	s13 =	sadd.s32 $0x80, s13;
	[tilespmem:v9+s9+$0x0] =	vst.idx.msk $0xff, v7  }
0x37: {  	v7 =	vld [tilespmem:s13+$0x10]  }
0x38: {  	v6 =	vld [tilespmem:s13+$0x0]  }
0x39: {  	s14 =	sadd.s32 $0x1, s14;
	s11 =	sadd.s32 $0x80, s11;
	v8 =	vld [tilespmem:s13+$0xFFFFFFF0]  }
0x3a: {  	_ =	sdelay $0x1  }
0x3b: {  	v9 =	vld [tilespmem:s13+$0xFFFFFFE0]  }
0x3c: {  	(xrf1) =	vsort.dscd.msk.f32 $0xffff, v7, v3  }
0x3d: {  	(xrf1) =	vsort.dscd.msk.f32 $0xffff, v8, v1  }
0x3e: {  	(xrf1) =	vsort.dscd.msk.f32 $0xffff, v6, v2;
	_ =	sdelay $0x1  }
0x3f: {  	(xrf1) =	vsort.dscd.msk.f32 $0xffff, v9, v0;
	_ =	sdelay $0x9  }
0x40: {  	v6, v7, _ =	vpop (xrf1)  }
0x41: {  	v6 =	vperm.xlane v6, v4;
	v7 =	vperm.xlane v7, v4;
	v8, v53, _ =	vpop (xrf1)  }
0x42: {  	v8 =	vperm.xlane v8, v4;
	v10, v11, _ =	vpop (xrf1)  }
0x43: {  	v9 =	vperm.xlane v53, v4;
	v6 =	vsel vm0, v10, v6;
	v7 =	vsel vm0, v11, v7  }
0x44: {  	v54, v55, _ =	vpop (xrf1);
	(xrf1) =	vsort.dscd.msk.f32 $0xffff, v6, v7  }
0x45: {  	v6 =	vsel vm0, v54, v8;
	v7 =	vsel vm0, v55, v9  }
0x46: {  	(xrf1) =	vsort.dscd.msk.f32 $0xffff, v6, v7;
	_ =	sdelay $0xb  }
0x47: {  	v6, v7, _ =	vpop (xrf1)  }
0x48: {  	v6 =	vperm.xlane v6, v4;
	v7 =	vperm.xlane v7, v4  }
0x49: {  	v56, v57, _ =	vpop (xrf1)  }
0x4a: {  	v6 =	vsel vm0, v56, v6;
	v7 =	vsel vm0, v57, v7  }
0x4b: {  	(xrf1) =	vsort.dscd.msk.f32 $0xffff, v6, v7;
	_ =	sdelay $0xd  }
0x4c: {  	v6, v7, _ =	vpop (xrf1)  }
0x4d: {  	(xrf0) =	vmax.scan.msk.f32 $0xffff, v6;
	_ =	sdelay $0x5  }
0x4e: {  	v58, _, _ =	vpop (xrf0)  }
0x4f: {  	v8 =	vbroadcast v58, $0xF;
	_ =	sdelay $0x1  }
0x50: {  	v6 =	vsub.f32 v6, v8;
	_ =	sdelay $0x1  }
0x51: {  	v6 =	vmul.f32 $1.442695020e+00, v6;
	_ =	sdelay $0x1  }
0x52: {  	(erf) = vpow2.f32 v6;
	_ =	sdelay $0x8  }
0x53: {  	v6 =	vpop (erf)  }
0x54: {  	v6 =	vnsel vm0, $0x0, v6  }
0x55: {  	(xrf2) =	vadd.scan.msk.f32 $0xffff, v6;
	_ =	sdelay $0x9  }
0x56: {  	v59, _, _ =	vpop (xrf2)  }
0x57: {  	v8 =	vbroadcast v59, $0xF;
	_ =	sdelay $0x1  }
0x58: {  	(erf) = vrcp.f32 v8;
	_ =	sdelay $0x4  }
0x59: {  	s12 =	sshll.u32 s12, $0x7;
	v60 =	vand.u32 $0xFFFFFF80, v7  }
0x5a: {  	v61 =	vand.u32 $0x7F, v7;
	v8 =	vadd.s32 s12, v60  }
0x5b: {  	v8 =	vor.u32 v61, v8  }
0x5c: {  	[tilespmem:s11+$0xFFFFFFF0] =	vst v5;
	v62 =	vor.u32 s12, v0  }
0x5d: {  	[tilespmem:s11+$0xFFFFFFE0] =	vst v5;
	v63 =	vpop (erf)  }
0x5e: {  	[tilespmem:s11+$0x0] =	vst v5;
	v6 =	vmul.f32 v63, v6  }
0x5f: {  	[tilespmem:s11+$0x10] =	vst v5  }
0x60: {  	[tilespmem:v8+s8+$0x0] =	vst.idx.msk $0xff, v6  }
0x61: {  	[tilespmem:v62+s9+$0x0] =	vst.idx.msk $0xff, v7  }
0x62: {  	[hbm4b:s4+s2] =	stream.linear.scatter [tilespmem:s9], [sflag:$0x1], $0x8000, $0x38;
	[tilespmem:$0x18000] =	vst v63  }
0x63: {  	s10 =	sadd.s32 $0x1, s10;
	_ =	swait.ge [sflag:s7], $0x8000  }
0x64: {  	p0 =	sne.s32 s10, s6;
	[sflag:s7] =	ssyncset.done $0x0  }
.Ltmp1:
0x65: {  	[sflag:s7] =	ssyncadd.s32 $0xFFFF8000;
	(pc) =	sbr.rel @p0 .LBB2_1-.Ltmp1, $4  }
0x66: {  	[hbm4b:s5+s2] =	stream.linear.scatter [tilespmem:s8], [sflag:$0x1], $0x8000, $0x38;
	[tilespmem:$0x18000] =	vst v63  }
0x67: {  	_ =	swait.ge [sflag:s7], $0x8000  }
0x68: {  	[sflag:s7] =	ssyncset.done $0x0  }
0x69: {  	[sflag:s7] =	ssyncadd.s32 $0xFFFF8000  }
0x6a: {  	_ =	sfence.sel $0x180000  }
0x6b: {  	[bflag:$0x0] =	sbarrier.arrive $0xFFFF  }
0x6c: {  	p0 =	sne.s32 s1, $0x0;
	_ =	strace $0x9000004A  }
0x6d: {  	s0 =	sadd.s32 @!p0 $0x100000, s0;
	[bflag:$0x2] =	sbarrier.arrive $0xFFFF  }
0x6e: {  	[sflag:s0] =	ssyncadd.tile.s32 @!p0 $0x1;
	_ =	shalt  }
.Lfunc_end2:
_tile_overlayer_lowered:
.L_overlay_start_2:
0x6f: {  	(tag) =	ssettag $0x2  }
0x70: {  	s0 =	rddreg [dreg:$0x0];
	s2 =	stileid.u32  }
0x71: {  	s1 =	rddreg [dreg:$0x1];
	p0 =	sne.s32 s2, $0x0  }
0x72: {  	s3 =	rddreg [dreg:$0x2];
	[bflag:$0x3] =	sbarrier.arrive $0xFFFF;
	s2 =	simm.s32 @!p0 $0x1C01  }
0x73: {  	[timem:s3], [sflag:s2] =	dma.local @!p0 [hbm:s0], s1  }
0x74: {  	s0 =	simm.s32 @!p0 $0x1  }
0x75: {  	_ =	swait.ge @!p0 [sflag:s0], s1  }
0x76: {  	s1 =	ssub.s32 @!p0 $0x0, s1;
	[sflag:s0] =	ssyncset.done @!p0 $0x0  }
0x77: {  	[sflag:s0] =	ssyncadd.s32 @!p0 s1  }
0x78: {  	[bflag:$0x3] =	sbarrier.arrive $0xFFFF  }
0x79: {  	_ =	shalt  }

// kernel: kernel.19.cloned.1.call-start
scs
__scs_entry_jumppad:
0x0: {  	(pc) =	sbr.rel $0x88, $3  }
0x1: {  	(tag) =	ssettag $0x0;
	lr =	simm.s32 $0x1  }
0x2: {  	[smem:$0x3F9E] =	sst lr;
	_ =	strace $0xD0000000  }
0x3: {  	_ = 	snop  }
0x4: {  	_ = 	snop  }
0x5: {  	_ = 	snop  }
0x6: {  	_ = 	snop  }
0x7: {  	_ = 	snop  }
__scs_overlays_trampoline_lowered:
0x8: {  	[smem:$0x3FAD] =	sst s0  }
0x9: {  	[smem:$0x3FAE] =	sst s1  }
0xa: {  	[smem:$0x3FAF] =	sst s2  }
0xb: {  	[smem:$0x3FB0] =	sst s3  }
0xc: {  	[smem:$0x3FB1] =	sst s4  }
0xd: {  	[smem:$0x3FB2] =	sst s5  }
0xe: {  	[smem:$0x3FB3] =	sst s6  }
0xf: {  	[smem:$0x3FB4] =	sst s7  }
0x10: {  	[smem:$0x3FB5] =	sst s8  }
0x11: {  	[smem:$0x3FB6] =	sst s9;
	s0 =	simm.s32 @!p0 $0x0  }
0x12: {  	s1 =	sld [smem:$0x3F9C];
	s0 =	simm.s32 @p0 $0x1  }
0x13: {  	[smem:$0x3FB7] =	sst s0;
	s0 =	simm.s32 @!p1 $0x0  }
0x14: {  	s2 =	sld [smem:$0x3F9B];
	s0 =	simm.s32 @p1 $0x1  }
0x15: {  	[smem:$0x3FB8] =	sst s0;
	s0 =	simm.s32 @!p2 $0x0  }
0x16: {  	s3 =	sld [smem:$0x3FDB];
	s0 =	simm.s32 @p2 $0x1  }
0x17: {  	s4 =	simm.s32 $0x1BF5;
	[smem:$0x3FBA] =	sst s0  }
0x18: {  	s0 =	sld [smem:$0x3F9D];
	_ =	swait.ge [sflag:s4], $0x0  }
0x19: {  	s7 =	sld [smem:$0x3F9E]  }
0x1a: {  	s8 =	sadd.s32 $0xFFFFE003, lr  }
0x1b: {  	s9 =	sadd.s32 $0xFFFFFEF7, lr;
	s5 =	simm.s32 $0xFFFFFFFF;
	p2 =	slt.u32 s8, $0xFFFFF086  }
0x1c: {  	p1 =	slt.u32 s9, $0xF7A;
	s5 =	simm.s32 @!p2 $0x0  }
0x1d: {  	s5 =	simm.s32 @p1 $0x1;
	p0 =	seq.s32 s7, s2  }
0x1e: {  	s7 =	smul.u32 @!p0 $0xF7A, s2;
	p2 =	seq.s32 @!p0 s5, $0x0  }
0x1f: {  	s9 =	smul.u32 $0xF7A, s1;
	s8 =	simm.s32 @!p0 $0x1BF5;
	p2 =	por !p2, p0  }
0x20: {  	[sflag:s8] =	ssyncset.s32 @!p0 $0xFFFFF086;
	s6 =	sadd.s32 @!p0 s3, s7;
	s7 =	simm.s32 @!p0 $0x108  }
0x21: {  	s3 =	sadd.s32 s3, s9;
	s6 =	sadd.s32 @!p0 $0x88, s6;
	s7 =	simm.s32 @p2 $0x1082  }
0x22: {  	[simem:s7], [sflag:s8] =	dma.local @!p0 [hbm:s6], $0xF7A  }
0x23: {  	s9 =	sor.u32 $0xD0000000, s2;
	s6 =	simm.s32 $0x108;
	_ =	swait.ge @!p0 [sflag:s8], $0x0  }
0x24: {  	s3 =	sadd.s32 $0x88, s3;
	s6 =	simm.s32 @!p1 $0x1082;
	[sflag:s4] =	ssyncset.s32 $0xFFFFF086  }
0x25: {  	[simem:s6], [sflag:s4] =	dma.local [hbm:s3], $0xF7A  }
0x26: {  	[smem:$0x3F9E] =	sst s1;
	(tag) =	ssettag s2;
	_ =	strace s9  }
0x27: {  	s1 =	sld [smem:$0x3FAE]  }
0x28: {  	s2 =	sld [smem:$0x3FAF]  }
0x29: {  	s4 =	sld [smem:$0x3FB1]  }
0x2a: {  	p0 =	seq.s32 s5, $0x0;
	s5 =	sld [smem:$0x3FB2]  }
0x2b: {  	s6 =	sld [smem:$0x3FB3]  }
0x2c: {  	s7 =	sld [smem:$0x3FB4]  }
0x2d: {  	s3 =	simm.s32 $0x108;
	s8 =	sld [smem:$0x3FB5]  }
0x2e: {  	s3 =	simm.s32 @!p0 $0x1082;
	s9 =	sld [smem:$0x3FB6]  }
0x2f: {  	lr =	sadd.s32 s0, s3;
	s0 =	sld [smem:$0x3FAD]  }
0x30: {  	s3 =	sld [smem:$0x3FB0]  }
0x31: {  	[smem:$0x3FB9] =	sst s10  }
0x32: {  	s10 =	sld [smem:$0x3FB7];
	_ =	sdelay $0x3  }
0x33: {  	p0 =	seq.s32 s10, $0x1;
	s10 =	sld [smem:$0x3FB9];
	_ =	sdelay $0x3  }
0x34: {  	[smem:$0x3FB9] =	sst s10  }
0x35: {  	s10 =	sld [smem:$0x3FB8];
	_ =	sdelay $0x3  }
0x36: {  	p1 =	seq.s32 s10, $0x1;
	s10 =	sld [smem:$0x3FB9];
	_ =	sdelay $0x3  }
0x37: {  	[smem:$0x3FB9] =	sst s10  }
0x38: {  	s10 =	sld [smem:$0x3FBA]  }
0x39: {  	_ = 	snop;
	(pc) =	sbr.ind lr, $3  }
0x3a: {  	_ = 	snop  }
0x3b: {  	_ = 	snop  }
0x3c: {  	p2 =	seq.s32 s10, $0x1;
	s10 =	sld [smem:$0x3FB9]  }
0x3d: {  	_ =	shalt  }
0x3e: {  	_ =	shalt  }
0x3f: {  	_ =	shalt  }
0x40: {  	_ =	shalt  }
0x41: {  	_ =	shalt  }
0x42: {  	_ =	shalt  }
0x43: {  	_ =	shalt  }
0x44: {  	_ =	shalt  }
0x45: {  	_ =	shalt  }
0x46: {  	_ =	shalt  }
0x47: {  	_ =	shalt  }
0x48: {  	_ =	shalt  }
0x49: {  	_ =	shalt  }
0x4a: {  	_ =	shalt  }
0x4b: {  	_ =	shalt  }
0x4c: {  	_ =	shalt  }
0x4d: {  	_ =	shalt  }
0x4e: {  	_ =	shalt  }
0x4f: {  	_ =	shalt  }
0x50: {  	_ =	shalt  }
0x51: {  	_ =	shalt  }
0x52: {  	_ =	shalt  }
0x53: {  	_ =	shalt  }
0x54: {  	_ =	shalt  }
0x55: {  	_ =	shalt  }
0x56: {  	_ =	shalt  }
0x57: {  	_ =	shalt  }
0x58: {  	_ =	shalt  }
0x59: {  	_ =	shalt  }
0x5a: {  	_ =	shalt  }
0x5b: {  	_ =	shalt  }
0x5c: {  	_ =	shalt  }
0x5d: {  	_ =	shalt  }
0x5e: {  	_ =	shalt  }
0x5f: {  	_ =	shalt  }
0x60: {  	_ =	shalt  }
0x61: {  	_ =	shalt  }
0x62: {  	_ =	shalt  }
0x63: {  	_ =	shalt  }
0x64: {  	_ =	shalt  }
0x65: {  	_ =	shalt  }
0x66: {  	_ =	shalt  }
0x67: {  	_ =	shalt  }
0x68: {  	_ =	shalt  }
0x69: {  	_ =	shalt  }
0x6a: {  	_ =	shalt  }
0x6b: {  	_ =	shalt  }
0x6c: {  	_ =	shalt  }
0x6d: {  	_ =	shalt  }
0x6e: {  	_ =	shalt  }
0x6f: {  	_ =	shalt  }
0x70: {  	_ =	shalt  }
0x71: {  	_ =	shalt  }
0x72: {  	_ =	shalt  }
0x73: {  	_ =	shalt  }
0x74: {  	_ =	shalt  }
0x75: {  	_ =	shalt  }
0x76: {  	_ =	shalt  }
0x77: {  	_ =	shalt  }
0x78: {  	_ =	shalt  }
0x79: {  	_ =	shalt  }
0x7a: {  	_ =	shalt  }
0x7b: {  	_ =	shalt  }
0x7c: {  	_ =	shalt  }
0x7d: {  	_ =	shalt  }
0x7e: {  	_ =	shalt  }
0x7f: {  	_ =	shalt  }
0x80: {  	_ =	shalt  }
0x81: {  	_ =	shalt  }
0x82: {  	_ =	shalt  }
0x83: {  	_ =	shalt  }
0x84: {  	_ =	shalt  }
0x85: {  	_ =	shalt  }
0x86: {  	_ =	shalt  }
0x87: {  	_ =	shalt  }
.Lfunc_end0:
.L_simem_size_0:
called_computation.3_lowered:
.L_overlay_start_0:
0x88: {  	s2 =	sld [smem:$0x3FD9]  }
0x89: {  	s3 =	sld [smem:$0x3FFE];
	_ =	sdelay $0x1  }
0x8a: {  	s1 =	srdreg.scid  }
0x8b: {  	s0 =	sand.u32 $0x1, s1  }
0x8c: {  	s15 =	sshll.u32 s0, $0xA;
	s2 =	sadd.s32 s3, s2  }
0x8d: {  	s2 =	sadd.s32 s2, s15  }
0x8e: {  	[smem:$0x3FC5] =	sst s2  }
0x8f: {  	_ = 	snop  }
0x90: {  	s2 =	sld [smem:$0x3FD0];
	_ =	sdelay $0x2  }
0x91: {  	s16 =	simm.s32 $0xD;
	s4 =	simm.s32 $0x10  }
0x92: {  	[smem:s4], [sflag:s16] =	dma.local [hbm:s2], $0x1  }
0x93: {  	_ =	swait.eq [sflag:s16], $0x1  }
0x94: {  	[sflag:s16] =	ssyncset.done $0x0  }
0x95: {  	[sflag:s16] =	ssyncadd.s32 $0xFFFFFFFF  }
0x96: {  	s17 =	sld [smem:$0x11];
	(tm) =	ssettm $0x1  }
0x97: {  	s18 =	sld [smem:$0x3FFB];
	_ =	sdelay $0x3  }
0x98: {  	_ =	strace s18  }
0x99: {  	s2 =	sld [smem:$0x3FFC];
	_ =	sdelay $0x3  }
0x9a: {  	_ =	strace s2  }
0x9b: {  	s2 =	sld [smem:$0x3FFD];
	_ =	sdelay $0x3  }
0x9c: {  	_ =	strace s2  }
0x9d: {  	_ =	strace $0x8FFFFFFF  }
0x9e: {  	s19 =	sld [smem:$0x3FDB];
	_ =	sdelay $0x1  }
0x9f: {  	s20 =	simm.s32 $_scs_section_size  }
0xa0: {  	s5 =	simm.s32 $_size__tile_overlayer_lowered;
	s6 =	simm.s32 $_tile_overlayer_lowered  }
0xa1: {  	s7 =	simm.s32 $0x1BFF;
	s21 =	sshll.u32 s6, $0x1;
	s4 =	sadd.s32 s20, s19  }
0xa2: {  	s22 =	simm.s32 $0x0;
	s5 =	sshll.u32 s5, $0x1;
	s6 =	sadd.s32 s21, s4  }
0xa3: {  	[timem:s22], [sflag:s7] =	dma.local [hbm:s6], s5  }
0xa4: {  	_ =	swait.ge [sflag:s7], s5  }
0xa5: {  	s5 =	ssub.s32 $0x0, s5;
	[sflag:s7] =	ssyncset.done $0x0  }
0xa6: {  	[sflag:s7] =	ssyncadd.s32 s5;
	_ =	sdelay $0x1  }
0xa7: {  	s23 =	simm.s32 $0x1B8B  }
0xa8: {  	_ =	swait.ge [sflag:s23], $0x1  }
0xa9: {  	[sflag:s23] =	ssyncset.done $0x0  }
0xaa: {  	[sflag:s23] =	ssyncadd.s32 $0xFFFFFFFF  }
0xab: {  	s5 =	sld [smem:$0x0]  }
0xac: {  	s6 =	sand.u32 $0xFFFFFFFE, s1  }
0xad: {  	p0 =	sne.s32 s1, s6  }
0xae: {  	s6 =	sshll.u32 @p0 s6, $0xE  }
0xaf: {  	s6 =	sadd.s32 @p0 $0x11B8D, s6;
	s7 =	sshll.u32 @p0 s5, $0x11  }
0xb0: {  	s6 =	sor.u32 @p0 s7, s6  }
0xb1: {  	[sflag:s6] =	ssyncadd.remote.s32 @p0 $0x1;
	_ =	sdelay $0x1  }
0xb2: {  	s6 =	simm.s32 @p0 $0x1B8D  }
0xb3: {  	_ =	swait.eq @p0 [sflag:s6], $0x1  }
0xb4: {  	[sflag:s6] =	ssyncadd.s32 @p0 $0xFFFFFFFF  }
0xb5: {  	s7 =	sshll.u32 @!p0 s1, $0xE  }
0xb6: {  	s7 =	sor.u32 @!p0 $0x4000, s7;
	s6 =	simm.s32 @!p0 $0x1B8D  }
0xb7: {  	s5 =	sshll.u32 @!p0 s5, $0x11;
	s7 =	sadd.s32 @!p0 $0x11B8D, s7;
	_ =	swait.eq @!p0 [sflag:s6], $0x1  }
0xb8: {  	s5 =	sor.u32 @!p0 s5, s7;
	[sflag:s6] =	ssyncadd.s32 @!p0 $0xFFFFFFFF  }
0xb9: {  	s25 =	simm.s32 $0x1B8E;
	s24 =	sld [smem:$0x3FFE];
	[sflag:s5] =	ssyncadd.remote.s32 @!p0 $0x1  }
0xba: {  	s26 =	simm.s32 $execute0_lowered;
	[smem:$0x3FD2] =	sst s25  }
0xbb: {  	s6 =	sshll.u32 s26, $0x1;
	_ =	strace $0x8000004C;
	[dreg:$0x1] =	wrdreg $0xFFFFFFFF  }
0xbc: {  	s28 =	simm.s32 $_size_execute0_lowered;
	s4 =	sadd.s32 s4, s6;
	[dreg:$0x0] =	wrdreg $0x0  }
0xbd: {  	s6 =	sshll.u32 s28, $0x1;
	[dreg:$0x2] =	wrdreg s4  }
0xbe: {  	[dreg:$0x3] =	wrdreg s6  }
0xbf: {  	[dreg:$0x4] =	wrdreg $0xC0  }
0xc0: {  	_ =	task [dreg:s22], $0x5FFFF  }
0xc1: {  	[dreg:$0x1] =	wrdreg $0xFFFFFFFF  }
0xc2: {  	[dreg:$0x0] =	wrdreg $0x60  }
0xc3: {  	[dreg:$0x2] =	wrdreg s17  }
0xc4: {  	[dreg:$0x3] =	wrdreg s24  }
0xc5: {  	[dreg:$0x4] =	wrdreg $0xC  }
0xc6: {  	_ =	task.clear_ibuf [dreg:s22], $0x5FFFF;
	_ =	strace $0x9000004C  }
0xc7: {  	s29 =	simm.s32 $0xC;
	_ =	strace $0x8000004E  }
0xc8: {  	_ =	swait.ge [sflag:s29], $0x1  }
0xc9: {  	[sflag:s29] =	ssyncadd.s32 $0xFFFFFFFF  }
0xca: {  	_ =	strace $0x9000004E  }
0xcb: {  	_ =	sfence  }
0xcc: {  	s30 =	sld [smem:$0x0];
	_ =	sdelay $0x2  }
0xcd: {  	s31 =	sshll.u32 s1, $0xD;
	s1 =	sshrl.u32 s1, $0x2  }
0xce: {  	s4 =	sand.u32 $0x4000, s31;
	s1 =	sadd.s32 s1, s30  }
0xcf: {  	s0 =	sor.u32 s4, s0;
	s1 =	sshll.u32 s1, $0x11  }
0xd0: {  	s0 =	sor.u32 s1, s0  }
0xd1: {  	s0 =	sadd.s32 $0x8F2B, s0  }
0xd2: {  	[sflag:s0] =	ssyncadd.remote.s32 $0x1  }
0xd3: {  	_ =	sfence.sel $0xFFFF  }
0xd4: {  	[dreg:$0x0] =	wrdreg $0xFFFFFFFF;
	(pc) =	sbr.abs _section_cstart, $3  }
0xd5: {  	[dreg:$0x1] =	wrdreg $0xFFFFFFFF  }
0xd6: {  	_ =	task.clear_ibuf [dreg:s22], $0x2FFFF;
	_ =	strace $0x9FFFFFFF  }
0xd7: {  	(tm) =	ssettm $0x7FFFFFFF  }
tec
execute0_lowered:
.L_overlay_start_1:
0x0: {  	(tag) =	ssettag $0x1  }
0x1: {  	s3 =	rddreg [dreg:$0x0]  }
0x2: {  	s4 =	rddreg [dreg:$0x1];
	s2 =	srdreg.scid  }
0x3: {  	s0 =	rddreg [dreg:$0x2];
	s1 =	stileid.u32;
	s9 =	simm.s32 $0x8000  }
0x4: {  	s10 =	simm.s32 $0x0;
	s5 =	sand.u32 $0x1, s2;
	s2 =	simm.s32 $0x0  }
0x5: {  	s6 =	sshll.u32 s1, $0xD;
	s7 =	sshll.u32 s5, $0xC;
	s5 =	ssub.s32 $0x2, s5  }
0x6: {  	v0 =	vlaneseq.u32;
	[smem:$0x7FF] =	sst s2;
	s6 =	sor.u32 s7, s6;
	s31 =	sshrl.u32 s5, $0x1  }
0x7: {  	v4 =	vmul.u32 $0xFFFFFFFF, v0;
	_ =	strace $0x8000004D;
	s7 =	sadd.s32 s6, s4;
	s8 =	ssub.s32 s5, s31  }
0x8: {  	vm0 =	vmmov $0xff;
	v5 =	vimm.f32 $0.0e+00;
	v1 =	vor.u32 $0x10, v0;
	s3 =	sadd.s32 s3, s6;
	s4 =	sadd.s32 $0xC3000, s7;
	s5 =	sadd.s32 $0xE3000, s7  }
0x9: {  	v2 =	vor.u32 $0x20, v0;
	v3 =	vor.u32 $0x30, v0;
	v4 =	vadd.s32 $0xF, v4;
	s6 =	smax.u32 s8, $0x1;
	s7 =	simm.s32 $0x1;
	s8 =	simm.s32 $0x10000  }
.LBB2_1:
0xa: {  	[tilespmem:s2], [sflag:$0x1] =	stream.linear.gather [hbm4b:s3+s2], $0x8000, $0x38;
	[tilespmem:$0x18000] =	vst v63  }
0xb: {  	_ =	swait.ge [sflag:s7], $0x8000  }
0xc: {  	[sflag:s7] =	ssyncset.done $0x0  }
0xd: {  	s13 =	simm.s32 $0x20;
	[sflag:s7] =	ssyncadd.s32 $0xFFFF8000  }
0xe: {  	v7 =	vld [tilespmem:s13+$0x10]  }
0xf: {  	v6 =	vld [tilespmem:s13+$0x0]  }
0x10: {  	s11 =	simm.s32 $0x10020;
	s14 =	simm.s32 $0x1;
	s12 =	simm.s32 $0x0;
	v8 =	vld [tilespmem:s13+$0xFFFFFFF0]  }
.LBB2_2:
0x11: {  	p0 =	sne.s32 s14, $0xFF;
	v9 =	vld [tilespmem:s13+$0xFFFFFFE0];
	[tilespmem:s11+$0xFFFFFFF0] =	vst v5;
	_ =	sdelay $0x2  }
0x12: {  	(xrf1) =	vsort.dscd.msk.f32 $0xffff, v7, v3  }
0x13: {  	(xrf1) =	vsort.dscd.msk.f32 $0xffff, v8, v1  }
0x14: {  	(xrf1) =	vsort.dscd.msk.f32 $0xffff, v6, v2  }
0x15: {  	(xrf1) =	vsort.dscd.msk.f32 $0xffff, v9, v0;
	_ =	sdelay $0xa  }
0x16: {  	v6, v7, _ =	vpop (xrf1)  }
0x17: {  	v6 =	vperm.xlane v6, v4;
	v7 =	vperm.xlane v7, v4;
	v8, v9, _ =	vpop (xrf1)  }
0x18: {  	v8 =	vperm.xlane v8, v4;
	v10, v11, _ =	vpop (xrf1)  }
0x19: {  	v9 =	vperm.xlane v9, v4;
	v6 =	vsel vm0, v10, v6;
	v7 =	vsel vm0, v11, v7;
	v10, v11, _ =	vpop (xrf1)  }
0x1a: {  	(xrf1) =	vsort.dscd.msk.f32 $0xffff, v6, v7  }
0x1b: {  	v6 =	vsel vm0, v10, v8;
	v7 =	vsel vm0, v11, v9  }
0x1c: {  	(xrf1) =	vsort.dscd.msk.f32 $0xffff, v6, v7;
	_ =	sdelay $0xb  }
0x1d: {  	v6, v7, _ =	vpop (xrf1)  }
0x1e: {  	v6 =	vperm.xlane v6, v4;
	v7 =	vperm.xlane v7, v4  }
0x1f: {  	v8, v9, _ =	vpop (xrf1)  }
0x20: {  	v6 =	vsel vm0, v8, v6;
	v7 =	vsel vm0, v9, v7  }
0x21: {  	(xrf1) =	vsort.dscd.msk.f32 $0xffff, v6, v7;
	_ =	sdelay $0xd  }
0x22: {  	v6, v7, _ =	vpop (xrf1)  }
0x23: {  	v8 =	vand.u32 $0xFFFFFF80, v7;
	v9 =	vand.u32 $0x7F, v7;
	(xrf0) =	vmax.scan.msk.f32 $0xffff, v6;
	_ =	sdelay $0x5  }
0x24: {  	v10, _, _ =	vpop (xrf0)  }
0x25: {  	v10 =	vbroadcast v10, $0xF;
	_ =	sdelay $0x1  }
0x26: {  	v6 =	vsub.f32 v6, v10;
	_ =	sdelay $0x1  }
0x27: {  	v6 =	vmul.f32 $1.442695020e+00, v6;
	_ =	sdelay $0x1  }
0x28: {  	(erf) = vpow2.f32 v6;
	_ =	sdelay $0x8  }
0x29: {  	v6 =	vpop (erf)  }
0x2a: {  	v6 =	vnsel vm0, $0x0, v6  }
0x2b: {  	(xrf2) =	vadd.scan.msk.f32 $0xffff, v6;
	_ =	sdelay $0x9  }
0x2c: {  	v10, _, _ =	vpop (xrf2)  }
0x2d: {  	v10 =	vbroadcast v10, $0xF;
	_ =	sdelay $0x1  }
0x2e: {  	(erf) = vrcp.f32 v10;
	_ =	sdelay $0x4  }
0x2f: {  	s15 =	sshll.u32 s12, $0x7;
	s12 =	smov.u32 s14  }
0x30: {  	v8 =	vadd.s32 s15, v8  }
0x31: {  	v8 =	vor.u32 v9, v8  }
0x32: {  	v9 =	vor.u32 s15, v0  }
0x33: {  	[tilespmem:s11+$0xFFFFFFE0] =	vst v5;
	v10 =	vpop (erf)  }
0x34: {  	v6 =	vmul.f32 v10, v6;
	[tilespmem:s11+$0x0] =	vst v5  }
0x35: {  	[tilespmem:s11+$0x10] =	vst v5  }
.Ltmp0:
0x36: {  	[tilespmem:v8+s8+$0x0] =	vst.idx.msk $0xff, v6;
	(pc) =	sbr.rel @p0 .LBB2_2-.Ltmp0, $4  }
0x37: {  	s13 =	sadd.s32 $0x80, s13;
	[tilespmem:v9+s9+$0x0] =	vst.idx.msk $0xff, v7  }
0x38: {  	v7 =	vld [tilespmem:s13+$0x10]  }
0x39: {  	v6 =	vld [tilespmem:s13+$0x0]  }
0x3a: {  	s14 =	sadd.s32 $0x1, s14;
	s11 =	sadd.s32 $0x80, s11;
	v8 =	vld [tilespmem:s13+$0xFFFFFFF0]  }
0x3b: {  	_ =	sdelay $0x1  }
0x3c: {  	v9 =	vld [tilespmem:s13+$0xFFFFFFE0]  }
0x3d: {  	(xrf1) =	vsort.dscd.msk.f32 $0xffff, v7, v3  }
0x3e: {  	(xrf1) =	vsort.dscd.msk.f32 $0xffff, v8, v1  }
0x3f: {  	(xrf1) =	vsort.dscd.msk.f32 $0xffff, v6, v2;
	_ =	sdelay $0x1  }
0x40: {  	(xrf1) =	vsort.dscd.msk.f32 $0xffff, v9, v0;
	_ =	sdelay $0x9  }
0x41: {  	v6, v7, _ =	vpop (xrf1)  }
0x42: {  	v6 =	vperm.xlane v6, v4;
	v7 =	vperm.xlane v7, v4;
	v8, v53, _ =	vpop (xrf1)  }
0x43: {  	v8 =	vperm.xlane v8, v4;
	v10, v11, _ =	vpop (xrf1)  }
0x44: {  	v9 =	vperm.xlane v53, v4;
	v6 =	vsel vm0, v10, v6;
	v7 =	vsel vm0, v11, v7  }
0x45: {  	v54, v55, _ =	vpop (xrf1);
	(xrf1) =	vsort.dscd.msk.f32 $0xffff, v6, v7  }
0x46: {  	v6 =	vsel vm0, v54, v8;
	v7 =	vsel vm0, v55, v9  }
0x47: {  	(xrf1) =	vsort.dscd.msk.f32 $0xffff, v6, v7;
	_ =	sdelay $0xb  }
0x48: {  	v6, v7, _ =	vpop (xrf1)  }
0x49: {  	v6 =	vperm.xlane v6, v4;
	v7 =	vperm.xlane v7, v4  }
0x4a: {  	v56, v57, _ =	vpop (xrf1)  }
0x4b: {  	v6 =	vsel vm0, v56, v6;
	v7 =	vsel vm0, v57, v7  }
0x4c: {  	(xrf1) =	vsort.dscd.msk.f32 $0xffff, v6, v7;
	_ =	sdelay $0xd  }
0x4d: {  	v6, v7, _ =	vpop (xrf1)  }
0x4e: {  	(xrf0) =	vmax.scan.msk.f32 $0xffff, v6;
	_ =	sdelay $0x5  }
0x4f: {  	v58, _, _ =	vpop (xrf0)  }
0x50: {  	v8 =	vbroadcast v58, $0xF;
	_ =	sdelay $0x1  }
0x51: {  	v6 =	vsub.f32 v6, v8;
	_ =	sdelay $0x1  }
0x52: {  	v6 =	vmul.f32 $1.442695020e+00, v6;
	_ =	sdelay $0x1  }
0x53: {  	(erf) = vpow2.f32 v6;
	_ =	sdelay $0x8  }
0x54: {  	v6 =	vpop (erf)  }
0x55: {  	v6 =	vnsel vm0, $0x0, v6  }
0x56: {  	(xrf2) =	vadd.scan.msk.f32 $0xffff, v6;
	_ =	sdelay $0x9  }
0x57: {  	v59, _, _ =	vpop (xrf2)  }
0x58: {  	v8 =	vbroadcast v59, $0xF;
	_ =	sdelay $0x1  }
0x59: {  	(erf) = vrcp.f32 v8;
	_ =	sdelay $0x4  }
0x5a: {  	s12 =	sshll.u32 s12, $0x7;
	v60 =	vand.u32 $0xFFFFFF80, v7  }
0x5b: {  	v61 =	vand.u32 $0x7F, v7;
	v8 =	vadd.s32 s12, v60  }
0x5c: {  	v8 =	vor.u32 v61, v8  }
0x5d: {  	[tilespmem:s11+$0xFFFFFFF0] =	vst v5;
	v62 =	vor.u32 s12, v0  }
0x5e: {  	[tilespmem:s11+$0xFFFFFFE0] =	vst v5;
	v63 =	vpop (erf)  }
0x5f: {  	[tilespmem:s11+$0x0] =	vst v5;
	v6 =	vmul.f32 v63, v6  }
0x60: {  	[tilespmem:s11+$0x10] =	vst v5  }
0x61: {  	[tilespmem:v8+s8+$0x0] =	vst.idx.msk $0xff, v6  }
0x62: {  	[tilespmem:v62+s9+$0x0] =	vst.idx.msk $0xff, v7  }
0x63: {  	[hbm4b:s4+s2] =	stream.linear.scatter [tilespmem:s9], [sflag:$0x1], $0x8000, $0x38;
	[tilespmem:$0x18000] =	vst v63  }
0x64: {  	s10 =	sadd.s32 $0x1, s10;
	_ =	swait.ge [sflag:s7], $0x8000  }
0x65: {  	p0 =	sne.s32 s10, s6;
	[sflag:s7] =	ssyncset.done $0x0  }
.Ltmp1:
0x66: {  	[sflag:s7] =	ssyncadd.s32 $0xFFFF8000;
	(pc) =	sbr.rel @p0 .LBB2_1-.Ltmp1, $4  }
0x67: {  	[hbm4b:s5+s2] =	stream.linear.scatter [tilespmem:s8], [sflag:$0x1], $0x8000, $0x38;
	[tilespmem:$0x18000] =	vst v63  }
0x68: {  	_ =	swait.ge [sflag:s7], $0x8000  }
0x69: {  	[sflag:s7] =	ssyncset.done $0x0  }
0x6a: {  	[sflag:s7] =	ssyncadd.s32 $0xFFFF8000  }
0x6b: {  	_ =	sfence.sel $0x180000  }
0x6c: {  	[bflag:$0x0] =	sbarrier.arrive $0xFFFF  }
0x6d: {  	p0 =	sne.s32 s1, $0x0;
	_ =	strace $0x9000004D  }
0x6e: {  	s0 =	sadd.s32 @!p0 $0x100000, s0;
	[bflag:$0x2] =	sbarrier.arrive $0xFFFF  }
0x6f: {  	[sflag:s0] =	ssyncadd.tile.s32 @!p0 $0x1;
	_ =	shalt  }
.Lfunc_end2:
_tile_overlayer_lowered:
.L_overlay_start_2:
0x70: {  	(tag) =	ssettag $0x2  }
0x71: {  	s0 =	rddreg [dreg:$0x0];
	s2 =	stileid.u32  }
0x72: {  	s1 =	rddreg [dreg:$0x1];
	p0 =	sne.s32 s2, $0x0  }
0x73: {  	s3 =	rddreg [dreg:$0x2];
	[bflag:$0x3] =	sbarrier.arrive $0xFFFF;
	s2 =	simm.s32 @!p0 $0x1C01  }
0x74: {  	[timem:s3], [sflag:s2] =	dma.local @!p0 [hbm:s0], s1  }
0x75: {  	s0 =	simm.s32 @!p0 $0x1  }
0x76: {  	_ =	swait.ge @!p0 [sflag:s0], s1  }
0x77: {  	s1 =	ssub.s32 @!p0 $0x0, s1;
	[sflag:s0] =	ssyncset.done @!p0 $0x0  }
0x78: {  	[sflag:s0] =	ssyncadd.s32 @!p0 s1  }
0x79: {  	[bflag:$0x3] =	sbarrier.arrive $0xFFFF  }
0x7a: {  	_ =	shalt  }

</sc_bundles>
